<compile_context>
chip_gen: v7x
topology: tpu7x:2x2x1
jax: 0.10.2.dev20260603
libtpu: 0.0.44.dev20260713+nightly
codegen_flags: <defaults>
</compile_context>

<pallas_src>
import functools

import jax
import jax.numpy as jnp
from jax import lax
from jax.experimental import pallas as pl
from jax.experimental.pallas import tpu as pltpu
from jax.experimental.pallas import tpu_sc as plsc

N_NODES = 10000
CH = 128
NSUB = 16
NCORE = 2

ROWS_A = (N_NODES // NSUB) // 8 * 8
ROWS_LAST = N_NODES - (NSUB - 1) * ROWS_A
ACC_PER_TILE = -(-(N_NODES + 1) // (NSUB * CH)) * CH


def _sc_segsum(nfeat, ept_pad, nchunk):
  n_acc = NSUB * ACC_PER_TILE

  mesh = plsc.VectorSubcoreMesh(core_axis_name="c", subcore_axis_name="s")

  @functools.partial(
      pl.kernel,
      out_type=jax.ShapeDtypeStruct((NCORE * N_NODES, nfeat), jnp.float32),
      mesh=mesh,
      scratch_types=[
          pltpu.VMEM((2, CH), jnp.int32),
          pltpu.VMEM((2, CH), jnp.int32),
          pltpu.VMEM((CH, nfeat), jnp.float32),
          pltpu.VMEM((CH, nfeat), jnp.float32),
          pltpu.VMEM_SHARED((n_acc, nfeat), jnp.float32),
          pltpu.SemaphoreType.DMA,
          pltpu.SemaphoreType.DMA,
      ],
  )
  def k(x_hbm, sd_hbm, out_hbm, i0, i1, r0, r1, acc, sem0, sem1):
    c = lax.axis_index("c")
    s = lax.axis_index("s")
    rows = r0

    def zrow(r, carry):
      for j in range(nfeat // 16):
        rows[r, pl.ds(j * 16, 16)] = jnp.zeros((16,), jnp.float32)
      return carry
    lax.fori_loop(0, CH, zrow, 0)

    def zcopy(kk, carry):
      pltpu.sync_copy(rows, acc.at[pl.ds(s * ACC_PER_TILE + kk * CH, CH)])
      return carry
    lax.fori_loop(0, ACC_PER_TILE // CH, zcopy, 0)
    plsc.subcore_barrier()

    tbase = (c * NSUB + s) * nchunk

    def fire(ib, rb, sem):
      pltpu.async_copy(x_hbm.at[ib.at[0]], rb, sem)

    def drain(ib, rb, sem):
      pltpu.make_async_copy(x_hbm.at[ib.at[0]], rb, sem).wait()

    pltpu.sync_copy(sd_hbm.at[tbase], i0)
    fire(i0, r0, sem0)

    def body(j, carry):
      pltpu.sync_copy(sd_hbm.at[tbase + 2 * j + 1], i1)
      fire(i1, r1, sem1)
      drain(i0, r0, sem0)
      pltpu.sync_copy(r0, acc.at[i0.at[1]], add=True)
      nxt = jnp.minimum(2 * j + 2, nchunk - 1)
      pltpu.sync_copy(sd_hbm.at[tbase + nxt], i0)
      fire(i0, r0, sem0)
      drain(i1, r1, sem1)
      pltpu.sync_copy(r1, acc.at[i1.at[1]], add=True)
      return carry
    lax.fori_loop(0, nchunk // 2, body, 0)
    drain(i0, r0, sem0)
    plsc.subcore_barrier()

    out_base = c * N_NODES + s * ROWS_A
    acc_base = s * ROWS_A

    def ecopy(kk, carry):
      pltpu.sync_copy(acc.at[pl.ds(acc_base + kk * CH, CH)], rows)
      pltpu.sync_copy(rows, out_hbm.at[pl.ds(out_base + kk * CH, CH)])
      return carry
    lax.fori_loop(0, ROWS_A // CH, ecopy, 0)
    tail_off = ROWS_A // CH * CH
    tail = ROWS_A - tail_off

    @pl.when(s < NSUB - 1)
    def _():
      pltpu.sync_copy(acc.at[pl.ds(acc_base + tail_off, tail)],
                      rows.at[pl.ds(0, tail)])
      pltpu.sync_copy(rows.at[pl.ds(0, tail)],
                      out_hbm.at[pl.ds(out_base + tail_off, tail)])

    @pl.when(s == NSUB - 1)
    def _():
      pltpu.sync_copy(acc.at[pl.ds(acc_base + tail_off, CH)], rows)
      pltpu.sync_copy(rows, out_hbm.at[pl.ds(out_base + tail_off, CH)])

  return k


def _tc_epilogue(agg_ref, w_ref, b_ref, wa_ref, ba_ref, q_ref,
                 out_ref, m0_ref, m1_ref):
  w = w_ref[...]
  b = b_ref[...]
  n = m0_ref.shape[0]
  m0 = jnp.maximum(
      jnp.dot(agg_ref[pl.ds(0, n)], w, preferred_element_type=jnp.float32)
      + b, 0.0)
  m1 = jnp.maximum(
      jnp.dot(agg_ref[pl.ds(n, n)], w, preferred_element_type=jnp.float32)
      + b, 0.0)
  m0_ref[...] = m0
  m1_ref[...] = m1
  wa = wa_ref[...]
  ba = ba_ref[...]
  q = q_ref[...]
  h0 = jnp.tanh(jnp.dot(m0, wa, preferred_element_type=jnp.float32) + ba)
  h1 = jnp.tanh(jnp.dot(m1, wa, preferred_element_type=jnp.float32) + ba)
  a0 = jnp.sum(h0 * q) / n
  a1 = jnp.sum(h1 * q) / n
  mx = jnp.maximum(a0, a1)
  e0 = jnp.exp(a0 - mx)
  e1 = jnp.exp(a1 - mx)
  w0 = e0 / (e0 + e1)
  w1 = e1 / (e0 + e1)
  out_ref[...] = w0 * m0 + w1 * m1


def kernel(x, adjs, W, b, Wa, ba, q, sparse):
  del sparse
  p, _, e = adjs.shape
  nfeat = x.shape[1]
  nhid = W.shape[1]

  adjs32 = adjs.astype(jnp.int32)
  ept = -(-e // NSUB)
  nchunk = 2 * -(-ept // (2 * CH))
  ept_pad = nchunk * CH
  e_pad = NSUB * ept_pad
  src = jnp.pad(adjs32[:, 0, :], ((0, 0), (0, e_pad - e)))
  dst = jnp.pad(adjs32[:, 1, :], ((0, 0), (0, e_pad - e)),
                constant_values=N_NODES)
  sd = jnp.stack([src.reshape(p, NSUB, nchunk, CH),
                  dst.reshape(p, NSUB, nchunk, CH)], axis=3)
  sd = sd.reshape(p * NSUB * nchunk, 2, CH)

  agg = _sc_segsum(nfeat, ept_pad, nchunk)(x, sd)

  out, m0, m1 = pl.pallas_call(
      _tc_epilogue,
      out_shape=[
          jax.ShapeDtypeStruct((N_NODES, nhid), jnp.float32),
          jax.ShapeDtypeStruct((N_NODES, nhid), jnp.float32),
          jax.ShapeDtypeStruct((N_NODES, nhid), jnp.float32),
      ],
  )(agg, W, b.reshape(1, nhid), Wa, ba, q)

  return (out[None], m0, m1)

# --- scband reference (transcript-rebuilt; emitter-appended) ---
"""Pipeline reference for scband-hgcn-shared-62010737819718 (READ-ONLY COPY).

The authoritative reference and input builder live on the scoring server;
editing this copy changes nothing except your own understanding.
"""

import jax, jax.numpy as jnp
import numpy as np

N_NODES = 10000


def gcn_layer(x, edge_index, W, b):
    # h = x @ W ; h = spmm(adj, h) with binary sparse adj ; h = relu(h + b)
    h = x @ W
    src = edge_index[0]
    dst = edge_index[1]
    msgs = jnp.take(h, src, axis=0)
    agg = jax.ops.segment_sum(msgs, dst, num_segments=N_NODES)
    return jax.nn.relu(agg + b)


def semantic_attention(inp, P, Wa, ba, q):
    # inp: [P*N, nhid]
    h = inp @ Wa
    h_prime = jnp.tanh(h + ba)
    attn = (h_prime @ q.T).reshape(P, -1)
    Nn = attn.shape[1]
    attn = attn.mean(axis=1, keepdims=True)
    attn = jax.nn.softmax(attn, axis=0)
    attn = attn.reshape(P, 1, 1)
    in_feat = inp.shape[1]
    inp_e = inp.reshape(P, Nn, in_feat)
    h_emb = jnp.sum(inp_e * attn, axis=0)
    return h_emb


def setup_inputs(seed: int = 0) -> dict:
    key = jax.random.key(seed)
    k = jax.random.split(key, 8)
    nfeat, nhid, shid, P, E = 128, 128, 64, 2, 320000
    x = jax.random.normal(k[0], (N_NODES, nfeat), dtype=jnp.float32)
    adjs = jax.random.randint(k[1], (P, 2, E), 0, N_NODES, dtype=jnp.int64)
    W = jax.random.normal(k[2], (nfeat, nhid), dtype=jnp.float32) * (1.0 / np.sqrt(nfeat))
    b = jnp.zeros((nhid,), dtype=jnp.float32)
    Wa = jax.random.normal(k[3], (nhid, shid), dtype=jnp.float32) * (1.0 / np.sqrt(nhid))
    ba = jnp.zeros((1, shid), dtype=jnp.float32)
    q = jax.random.normal(k[4], (1, shid), dtype=jnp.float32) * 0.1
    return {"x": x, "adjs": adjs, "W": W, "b": b, "Wa": Wa, "ba": ba, "q": q, "sparse": 1}


def reference(x, adjs, W, b, Wa, ba, q, sparse):
    P = adjs.shape[0]
    meta_path_x = []
    for i in range(P):
        m_x = gcn_layer(x, adjs[i], W, b)
        meta_path_x.append(m_x)
    xc = jnp.concatenate(meta_path_x, axis=0)
    out = semantic_attention(xc, P, Wa, ba, q)
    out = out[None, ...]
    return (out,) + tuple(meta_path_x)

if __name__ == "__main__":
    import jax
    _d = setup_inputs()
    print(jax.jit(kernel)(*tuple(_d.values())))

</pallas_src>

<mosaic_0001>
#map = affine_map<(d0, d1) -> (0, 0)>
#map1 = affine_map<(d0, d1) -> (0, 0, 0)>
module attributes {stable_mosaic.version = 14 : i64} {
  func.func @k(%arg0: i32, %arg1: i32, %arg2: memref<10000x128xf32, #tpu.memory_space<hbm>>, %arg3: memref<5056x2x128xi32, #tpu.memory_space<hbm>>, %arg4: memref<20000x128xf32, #tpu.memory_space<hbm>>, %arg5: memref<2x128xi32, #tpu.memory_space<vmem>>, %arg6: memref<2x128xi32, #tpu.memory_space<vmem>>, %arg7: memref<128x128xf32, #tpu.memory_space<vmem>>, %arg8: memref<128x128xf32, #tpu.memory_space<vmem>>, %arg9: memref<10240x128xf32, #tpu.memory_space<vmem_shared>>, %arg10: memref<!tpu.dma_semaphore, #tpu.memory_space<semaphore_mem>>, %arg11: memref<!tpu.dma_semaphore, #tpu.memory_space<semaphore_mem>>) attributes {dimension_semantics = [#tpu.dimension_semantics<core_parallel>, #tpu.dimension_semantics<subcore_parallel>], iteration_bounds = array<i64: 2, 16>, scalar_prefetch = 0 : i64, scratch_operands = 7 : i64, tpu.core_type = #tpu.core_type<sc_vector_subcore>, window_params = [{transform_indices = #map}, {transform_indices = #map1}, {transform_indices = #map}]} {
    %scan3A = arith.constant 0 : i32
    %scan3A_0 = arith.constant 0 : i32
    %scan3A_1 = arith.constant 128 : i32
    %scan3A_2 = arith.addi %scan3A_0, %scan3A_1 : i32
    %scan3A_3 = arith.constant 1 : i32
    scf.for %scan3A_52 = %scan3A_0 to %scan3A_2 step %scan3A_3  : i32 {
      %broadcast_in_dim3A = arith.constant 0.000000e+00 : f32
      %broadcast_in_dim3A_53 = vector.broadcast %broadcast_in_dim3A : f32 to vector<16xf32>
      %swap3A = arith.index_cast %scan3A_52 : i32 to index
      %swap3A_54 = arith.constant 0 : index
      %swap3A_55 = tpu.vector_load %arg7[%swap3A, %swap3A_54] {strides = array<i32>} : memref<128x128xf32, #tpu.memory_space<vmem>>, vector<1x16xf32>,
      %swap3A_56 = vector.shape_cast %swap3A_55 : vector<1x16xf32> to vector<16xf32>
      %swap3A_57 = vector.shape_cast %broadcast_in_dim3A_53 : vector<16xf32> to vector<1x16xf32>
      tpu.vector_store %arg7[%swap3A, %swap3A_54], %swap3A_57 {strides = array<i32>} : memref<128x128xf32, #tpu.memory_space<vmem>>, vector<1x16xf32>,
      %broadcast_in_dim3A_58 = arith.constant 0.000000e+00 : f32
      %broadcast_in_dim3A_59 = vector.broadcast %broadcast_in_dim3A_58 : f32 to vector<16xf32>
      %swap3A_60 = arith.index_cast %scan3A_52 : i32 to index
      %swap3A_61 = arith.constant 16 : index
      %swap3A_62 = tpu.vector_load %arg7[%swap3A_60, %swap3A_61] {strides = array<i32>} : memref<128x128xf32, #tpu.memory_space<vmem>>, vector<1x16xf32>,
      %swap3A_63 = vector.shape_cast %swap3A_62 : vector<1x16xf32> to vector<16xf32>
      %swap3A_64 = vector.shape_cast %broadcast_in_dim3A_59 : vector<16xf32> to vector<1x16xf32>
      tpu.vector_store %arg7[%swap3A_60, %swap3A_61], %swap3A_64 {strides = array<i32>} : memref<128x128xf32, #tpu.memory_space<vmem>>, vector<1x16xf32>,
      %broadcast_in_dim3A_65 = arith.constant 0.000000e+00 : f32
      %broadcast_in_dim3A_66 = vector.broadcast %broadcast_in_dim3A_65 : f32 to vector<16xf32>
      %swap3A_67 = arith.index_cast %scan3A_52 : i32 to index
      %swap3A_68 = arith.constant 32 : index
      %swap3A_69 = tpu.vector_load %arg7[%swap3A_67, %swap3A_68] {strides = array<i32>} : memref<128x128xf32, #tpu.memory_space<vmem>>, vector<1x16xf32>,
      %swap3A_70 = vector.shape_cast %swap3A_69 : vector<1x16xf32> to vector<16xf32>
      %swap3A_71 = vector.shape_cast %broadcast_in_dim3A_66 : vector<16xf32> to vector<1x16xf32>
      tpu.vector_store %arg7[%swap3A_67, %swap3A_68], %swap3A_71 {strides = array<i32>} : memref<128x128xf32, #tpu.memory_space<vmem>>, vector<1x16xf32>,
      %broadcast_in_dim3A_72 = arith.constant 0.000000e+00 : f32
      %broadcast_in_dim3A_73 = vector.broadcast %broadcast_in_dim3A_72 : f32 to vector<16xf32>
      %swap3A_74 = arith.index_cast %scan3A_52 : i32 to index
      %swap3A_75 = arith.constant 48 : index
      %swap3A_76 = tpu.vector_load %arg7[%swap3A_74, %swap3A_75] {strides = array<i32>} : memref<128x128xf32, #tpu.memory_space<vmem>>, vector<1x16xf32>,
      %swap3A_77 = vector.shape_cast %swap3A_76 : vector<1x16xf32> to vector<16xf32>
      %swap3A_78 = vector.shape_cast %broadcast_in_dim3A_73 : vector<16xf32> to vector<1x16xf32>
      tpu.vector_store %arg7[%swap3A_74, %swap3A_75], %swap3A_78 {strides = array<i32>} : memref<128x128xf32, #tpu.memory_space<vmem>>, vector<1x16xf32>,
      %broadcast_in_dim3A_79 = arith.constant 0.000000e+00 : f32
      %broadcast_in_dim3A_80 = vector.broadcast %broadcast_in_dim3A_79 : f32 to vector<16xf32>
      %swap3A_81 = arith.index_cast %scan3A_52 : i32 to index
      %swap3A_82 = arith.constant 64 : index
      %swap3A_83 = tpu.vector_load %arg7[%swap3A_81, %swap3A_82] {strides = array<i32>} : memref<128x128xf32, #tpu.memory_space<vmem>>, vector<1x16xf32>,
      %swap3A_84 = vector.shape_cast %swap3A_83 : vector<1x16xf32> to vector<16xf32>
      %swap3A_85 = vector.shape_cast %broadcast_in_dim3A_80 : vector<16xf32> to vector<1x16xf32>
      tpu.vector_store %arg7[%swap3A_81, %swap3A_82], %swap3A_85 {strides = array<i32>} : memref<128x128xf32, #tpu.memory_space<vmem>>, vector<1x16xf32>,
      %broadcast_in_dim3A_86 = arith.constant 0.000000e+00 : f32
      %broadcast_in_dim3A_87 = vector.broadcast %broadcast_in_dim3A_86 : f32 to vector<16xf32>
      %swap3A_88 = arith.index_cast %scan3A_52 : i32 to index
      %swap3A_89 = arith.constant 80 : index
      %swap3A_90 = tpu.vector_load %arg7[%swap3A_88, %swap3A_89] {strides = array<i32>} : memref<128x128xf32, #tpu.memory_space<vmem>>, vector<1x16xf32>,
      %swap3A_91 = vector.shape_cast %swap3A_90 : vector<1x16xf32> to vector<16xf32>
      %swap3A_92 = vector.shape_cast %broadcast_in_dim3A_87 : vector<16xf32> to vector<1x16xf32>
      tpu.vector_store %arg7[%swap3A_88, %swap3A_89], %swap3A_92 {strides = array<i32>} : memref<128x128xf32, #tpu.memory_space<vmem>>, vector<1x16xf32>,
      %broadcast_in_dim3A_93 = arith.constant 0.000000e+00 : f32
      %broadcast_in_dim3A_94 = vector.broadcast %broadcast_in_dim3A_93 : f32 to vector<16xf32>
      %swap3A_95 = arith.index_cast %scan3A_52 : i32 to index
      %swap3A_96 = arith.constant 96 : index
      %swap3A_97 = tpu.vector_load %arg7[%swap3A_95, %swap3A_96] {strides = array<i32>} : memref<128x128xf32, #tpu.memory_space<vmem>>, vector<1x16xf32>,
      %swap3A_98 = vector.shape_cast %swap3A_97 : vector<1x16xf32> to vector<16xf32>
      %swap3A_99 = vector.shape_cast %broadcast_in_dim3A_94 : vector<16xf32> to vector<1x16xf32>
      tpu.vector_store %arg7[%swap3A_95, %swap3A_96], %swap3A_99 {strides = array<i32>} : memref<128x128xf32, #tpu.memory_space<vmem>>, vector<1x16xf32>,
      %broadcast_in_dim3A_100 = arith.constant 0.000000e+00 : f32
      %broadcast_in_dim3A_101 = vector.broadcast %broadcast_in_dim3A_100 : f32 to vector<16xf32>
      %swap3A_102 = arith.index_cast %scan3A_52 : i32 to index
      %swap3A_103 = arith.constant 112 : index
      %swap3A_104 = tpu.vector_load %arg7[%swap3A_102, %swap3A_103] {strides = array<i32>} : memref<128x128xf32, #tpu.memory_space<vmem>>, vector<1x16xf32>,
      %swap3A_105 = vector.shape_cast %swap3A_104 : vector<1x16xf32> to vector<16xf32>
      %swap3A_106 = vector.shape_cast %broadcast_in_dim3A_101 : vector<16xf32> to vector<1x16xf32>
      tpu.vector_store %arg7[%swap3A_102, %swap3A_103], %swap3A_106 {strides = array<i32>} : memref<128x128xf32, #tpu.memory_space<vmem>>, vector<1x16xf32>,
    }
    %scan3A_4 = arith.constant 128 : i32
    %scan3A_5 = arith.constant 0 : i32
    %scan3A_6 = arith.constant 0 : i32
    %scan3A_7 = arith.constant 5 : i32
    %scan3A_8 = arith.addi %scan3A_6, %scan3A_7 : i32
    %scan3A_9 = arith.constant 1 : i32
    scf.for %scan3A_52 = %scan3A_6 to %scan3A_8 step %scan3A_9  : i32 {
      %mul3A_53 = arith.constant 640 : i32
      %mul3A_54 = arith.muli %arg1, %mul3A_53 : i32
      %mul3A_55 = arith.constant 128 : i32
      %mul3A_56 = arith.muli %scan3A_52, %mul3A_55 : i32
      %add3A_57 = arith.addi %mul3A_54, %mul3A_56 : i32
      "tpu.region"() ({
        %run_scoped3A = tpu.sem_alloc : memref<!tpu.dma_semaphore, #tpu.memory_space<semaphore_mem>>
        %dma_start3A_58 = arith.constant 0 : i32
        %dma_start3A_59 = tpu.memref_slice %arg9[%add3A_57, %dma_start3A_58] : memref<10240x128xf32, #tpu.memory_space<vmem_shared>> -> memref<128x128xf32, #tpu.memory_space<vmem_shared>>
        %dma_start3A_60 = arith.constant 0 : i32
        %dma_start3A_61 = tpu.memref_slice %arg9[%add3A_57, %dma_start3A_60] : memref<10240x128xf32, #tpu.memory_space<vmem_shared>> -> memref<128x128xf32, #tpu.memory_space<vmem_shared>>
        tpu.enqueue_dma source(%arg7 : memref<128x128xf32, #tpu.memory_space<vmem>>) target(%dma_start3A_61 : memref<128x128xf32, #tpu.memory_space<vmem_shared>>) target_semaphore(%run_scoped3A : memref<!tpu.dma_semaphore, #tpu.memory_space<semaphore_mem>>)
        %dma_wait3A_62 = arith.constant 0 : i32
        %dma_wait3A_63 = tpu.memref_slice %arg9[%add3A_57, %dma_wait3A_62] : memref<10240x128xf32, #tpu.memory_space<vmem_shared>> -> memref<128x128xf32, #tpu.memory_space<vmem_shared>>
        %dma_wait3A_64 = arith.constant 0 : i32
        %dma_wait3A_65 = tpu.memref_slice %arg9[%add3A_57, %dma_wait3A_64] : memref<10240x128xf32, #tpu.memory_space<vmem_shared>> -> memref<128x128xf32, #tpu.memory_space<vmem_shared>>
        tpu.wait_dma2 semaphore(%run_scoped3A : memref<!tpu.dma_semaphore, #tpu.memory_space<semaphore_mem>>) src(%arg7 : memref<128x128xf32, #tpu.memory_space<vmem>>) dst(%dma_wait3A_65 : memref<128x128xf32, #tpu.memory_space<vmem_shared>>)
        tpu.yield
      }) : () -> ()
    }
    %scan3A_10 = arith.constant 5 : i32
    %barrier3A = arith.constant 0 : index
    tpu.barrier barrier_id(%barrier3A)
    %mul3A = arith.constant 16 : i32
    %mul3A_11 = arith.muli %arg0, %mul3A : i32
    %add3A = arith.addi %mul3A_11, %arg1 : i32
    %mul3A_12 = arith.constant 158 : i32
    %mul3A_13 = arith.muli %add3A, %mul3A_12 : i32
    "tpu.region"() ({
      %run_scoped3A = tpu.sem_alloc : memref<!tpu.dma_semaphore, #tpu.memory_space<semaphore_mem>>
      %dma_start3A_52 = arith.constant 0 : i32
      %dma_start3A_53 = arith.constant 0 : i32
      %dma_start3A_54 = tpu.memref_slice %arg3[%mul3A_13, %dma_start3A_52, %dma_start3A_53] : memref<5056x2x128xi32, #tpu.memory_space<hbm>> -> memref<1x2x128xi32, #tpu.memory_space<hbm>>
      %dma_start3A_55 = tpu.memref_squeeze %dma_start3A_54 : memref<1x2x128xi32, #tpu.memory_space<hbm>> -> memref<2x128xi32, #tpu.memory_space<hbm>>
      %dma_start3A_56 = arith.constant 0 : i32
      %dma_start3A_57 = arith.constant 0 : i32
      %dma_start3A_58 = tpu.memref_slice %arg3[%mul3A_13, %dma_start3A_56, %dma_start3A_57] : memref<5056x2x128xi32, #tpu.memory_space<hbm>> -> memref<1x2x128xi32, #tpu.memory_space<hbm>>
      %dma_start3A_59 = tpu.memref_squeeze %dma_start3A_58 : memref<1x2x128xi32, #tpu.memory_space<hbm>> -> memref<2x128xi32, #tpu.memory_space<hbm>>
      tpu.enqueue_dma source(%dma_start3A_59 : memref<2x128xi32, #tpu.memory_space<hbm>>) target(%arg5 : memref<2x128xi32, #tpu.memory_space<vmem>>) target_semaphore(%run_scoped3A : memref<!tpu.dma_semaphore, #tpu.memory_space<semaphore_mem>>)
      %dma_wait3A_60 = arith.constant 0 : i32
      %dma_wait3A_61 = arith.constant 0 : i32
      %dma_wait3A_62 = tpu.memref_slice %arg3[%mul3A_13, %dma_wait3A_60, %dma_wait3A_61] : memref<5056x2x128xi32, #tpu.memory_space<hbm>> -> memref<1x2x128xi32, #tpu.memory_space<hbm>>
      %dma_wait3A_63 = tpu.memref_squeeze %dma_wait3A_62 : memref<1x2x128xi32, #tpu.memory_space<hbm>> -> memref<2x128xi32, #tpu.memory_space<hbm>>
      %dma_wait3A_64 = arith.constant 0 : i32
      %dma_wait3A_65 = arith.constant 0 : i32
      %dma_wait3A_66 = tpu.memref_slice %arg3[%mul3A_13, %dma_wait3A_64, %dma_wait3A_65] : memref<5056x2x128xi32, #tpu.memory_space<hbm>> -> memref<1x2x128xi32, #tpu.memory_space<hbm>>
      %dma_wait3A_67 = tpu.memref_squeeze %dma_wait3A_66 : memref<1x2x128xi32, #tpu.memory_space<hbm>> -> memref<2x128xi32, #tpu.memory_space<hbm>>
      tpu.wait_dma2 semaphore(%run_scoped3A : memref<!tpu.dma_semaphore, #tpu.memory_space<semaphore_mem>>) src(%dma_wait3A_67 : memref<2x128xi32, #tpu.memory_space<hbm>>) dst(%arg5 : memref<2x128xi32, #tpu.memory_space<vmem>>)
      tpu.yield
    }) : () -> ()
    %dma_start3A = arith.constant 0 : i32
    %dma_start3A_14 = arith.constant 0 : i32
    %dma_start3A_15 = tpu.memref_slice %arg5[%dma_start3A, %dma_start3A_14] : memref<2x128xi32, #tpu.memory_space<vmem>> -> memref<1x128xi32, #tpu.memory_space<vmem>>
    %dma_start3A_16 = tpu.memref_squeeze %dma_start3A_15 : memref<1x128xi32, #tpu.memory_space<vmem>> -> memref<128xi32, #tpu.memory_space<vmem>>
    %dma_start3A_17 = arith.constant 0 : i32
    %dma_start3A_18 = arith.constant 0 : i32
    %dma_start3A_19 = tpu.memref_slice %arg2[%dma_start3A_17, %dma_start3A_18] : memref<10000x128xf32, #tpu.memory_space<hbm>> -> memref<10000x128xf32, #tpu.memory_space<hbm>>
    tpu.enqueue_indirect_dma source(%dma_start3A_19 : memref<10000x128xf32, #tpu.memory_space<hbm>>) target(%arg7 : memref<128x128xf32, #tpu.memory_space<vmem>>) offsets(%dma_start3A_16 : memref<128xi32, #tpu.memory_space<vmem>>) semaphore(%arg10 : memref<!tpu.dma_semaphore, #tpu.memory_space<semaphore_mem>>)
    %scan3A_20 = arith.constant 0 : i32
    %scan3A_21 = arith.constant 0 : i32
    %scan3A_22 = arith.constant 79 : i32
    %scan3A_23 = arith.addi %scan3A_21, %scan3A_22 : i32
    %scan3A_24 = arith.constant 1 : i32
    scf.for %scan3A_52 = %scan3A_21 to %scan3A_23 step %scan3A_24  : i32 {
      %mul3A_53 = arith.constant 2 : i32
      %mul3A_54 = arith.muli %mul3A_53, %scan3A_52 : i32
      %add3A_55 = arith.addi %mul3A_13, %mul3A_54 : i32
      %add3A_56 = arith.constant 1 : i32
      %add3A_57 = arith.addi %add3A_55, %add3A_56 : i32
      "tpu.region"() ({
        %run_scoped3A_93 = tpu.sem_alloc : memref<!tpu.dma_semaphore, #tpu.memory_space<semaphore_mem>>
        %dma_start3A_94 = arith.constant 0 : i32
        %dma_start3A_95 = arith.constant 0 : i32
        %dma_start3A_96 = tpu.memref_slice %arg3[%add3A_57, %dma_start3A_94, %dma_start3A_95] : memref<5056x2x128xi32, #tpu.memory_space<hbm>> -> memref<1x2x128xi32, #tpu.memory_space<hbm>>
        %dma_start3A_97 = tpu.memref_squeeze %dma_start3A_96 : memref<1x2x128xi32, #tpu.memory_space<hbm>> -> memref<2x128xi32, #tpu.memory_space<hbm>>
        %dma_start3A_98 = arith.constant 0 : i32
        %dma_start3A_99 = arith.constant 0 : i32
        %dma_start3A_100 = tpu.memref_slice %arg3[%add3A_57, %dma_start3A_98, %dma_start3A_99] : memref<5056x2x128xi32, #tpu.memory_space<hbm>> -> memref<1x2x128xi32, #tpu.memory_space<hbm>>
        %dma_start3A_101 = tpu.memref_squeeze %dma_start3A_100 : memref<1x2x128xi32, #tpu.memory_space<hbm>> -> memref<2x128xi32, #tpu.memory_space<hbm>>
        tpu.enqueue_dma source(%dma_start3A_101 : memref<2x128xi32, #tpu.memory_space<hbm>>) target(%arg6 : memref<2x128xi32, #tpu.memory_space<vmem>>) target_semaphore(%run_scoped3A_93 : memref<!tpu.dma_semaphore, #tpu.memory_space<semaphore_mem>>)
        %dma_wait3A_102 = arith.constant 0 : i32
        %dma_wait3A_103 = arith.constant 0 : i32
        %dma_wait3A_104 = tpu.memref_slice %arg3[%add3A_57, %dma_wait3A_102, %dma_wait3A_103] : memref<5056x2x128xi32, #tpu.memory_space<hbm>> -> memref<1x2x128xi32, #tpu.memory_space<hbm>>
        %dma_wait3A_105 = tpu.memref_squeeze %dma_wait3A_104 : memref<1x2x128xi32, #tpu.memory_space<hbm>> -> memref<2x128xi32, #tpu.memory_space<hbm>>
        %dma_wait3A_106 = arith.constant 0 : i32
        %dma_wait3A_107 = arith.constant 0 : i32
        %dma_wait3A_108 = tpu.memref_slice %arg3[%add3A_57, %dma_wait3A_106, %dma_wait3A_107] : memref<5056x2x128xi32, #tpu.memory_space<hbm>> -> memref<1x2x128xi32, #tpu.memory_space<hbm>>
        %dma_wait3A_109 = tpu.memref_squeeze %dma_wait3A_108 : memref<1x2x128xi32, #tpu.memory_space<hbm>> -> memref<2x128xi32, #tpu.memory_space<hbm>>
        tpu.wait_dma2 semaphore(%run_scoped3A_93 : memref<!tpu.dma_semaphore, #tpu.memory_space<semaphore_mem>>) src(%dma_wait3A_109 : memref<2x128xi32, #tpu.memory_space<hbm>>) dst(%arg6 : memref<2x128xi32, #tpu.memory_space<vmem>>)
        tpu.yield
      }) : () -> ()
      %dma_start3A_58 = arith.constant 0 : i32
      %dma_start3A_59 = arith.constant 0 : i32
      %dma_start3A_60 = tpu.memref_slice %arg6[%dma_start3A_58, %dma_start3A_59] : memref<2x128xi32, #tpu.memory_space<vmem>> -> memref<1x128xi32, #tpu.memory_space<vmem>>
      %dma_start3A_61 = tpu.memref_squeeze %dma_start3A_60 : memref<1x128xi32, #tpu.memory_space<vmem>> -> memref<128xi32, #tpu.memory_space<vmem>>
      %dma_start3A_62 = arith.constant 0 : i32
      %dma_start3A_63 = arith.constant 0 : i32
      %dma_start3A_64 = tpu.memref_slice %arg2[%dma_start3A_62, %dma_start3A_63] : memref<10000x128xf32, #tpu.memory_space<hbm>> -> memref<10000x128xf32, #tpu.memory_space<hbm>>
      tpu.enqueue_indirect_dma source(%dma_start3A_64 : memref<10000x128xf32, #tpu.memory_space<hbm>>) target(%arg8 : memref<128x128xf32, #tpu.memory_space<vmem>>) offsets(%dma_start3A_61 : memref<128xi32, #tpu.memory_space<vmem>>) semaphore(%arg11 : memref<!tpu.dma_semaphore, #tpu.memory_space<semaphore_mem>>)
      %dma_wait3A_65 = arith.constant 0 : i32
      %dma_wait3A_66 = arith.constant 0 : i32
      %dma_wait3A_67 = tpu.memref_slice %arg5[%dma_wait3A_65, %dma_wait3A_66] : memref<2x128xi32, #tpu.memory_space<vmem>> -> memref<1x128xi32, #tpu.memory_space<vmem>>
      %dma_wait3A_68 = tpu.memref_squeeze %dma_wait3A_67 : memref<1x128xi32, #tpu.memory_space<vmem>> -> memref<128xi32, #tpu.memory_space<vmem>>
      %dma_wait3A_69 = arith.constant 0 : i32
      %dma_wait3A_70 = arith.constant 0 : i32
      %dma_wait3A_71 = tpu.memref_slice %arg2[%dma_wait3A_69, %dma_wait3A_70] : memref<10000x128xf32, #tpu.memory_space<hbm>> -> memref<10000x128xf32, #tpu.memory_space<hbm>>
      tpu.wait_indirect_dma semaphore(%arg10 : memref<!tpu.dma_semaphore, #tpu.memory_space<semaphore_mem>>) src(%dma_wait3A_71 : memref<10000x128xf32, #tpu.memory_space<hbm>>) dst(%arg7 : memref<128x128xf32, #tpu.memory_space<vmem>>)
      %run_scoped3A = arith.constant 1 : i32
      "tpu.region"() ({
        %run_scoped3A_93 = tpu.sem_alloc : memref<!tpu.dma_semaphore, #tpu.memory_space<semaphore_mem>>
        %dma_start3A_94 = arith.constant 0 : i32
        %dma_start3A_95 = tpu.memref_slice %arg5[%run_scoped3A, %dma_start3A_94] : memref<2x128xi32, #tpu.memory_space<vmem>> -> memref<1x128xi32, #tpu.memory_space<vmem>>
        %dma_start3A_96 = tpu.memref_squeeze %dma_start3A_95 : memref<1x128xi32, #tpu.memory_space<vmem>> -> memref<128xi32, #tpu.memory_space<vmem>>
        %dma_start3A_97 = arith.constant 0 : i32
        %dma_start3A_98 = arith.constant 0 : i32
        %dma_start3A_99 = tpu.memref_slice %arg9[%dma_start3A_97, %dma_start3A_98] : memref<10240x128xf32, #tpu.memory_space<vmem_shared>> -> memref<10240x128xf32, #tpu.memory_space<vmem_shared>>
        tpu.enqueue_indirect_dma source(%arg7 : memref<128x128xf32, #tpu.memory_space<vmem>>) target(%dma_start3A_99 : memref<10240x128xf32, #tpu.memory_space<vmem_shared>>) offsets(%dma_start3A_96 : memref<128xi32, #tpu.memory_space<vmem>>) semaphore(%run_scoped3A_93 : memref<!tpu.dma_semaphore, #tpu.memory_space<semaphore_mem>>) {add = true}
        %dma_wait3A_100 = arith.constant 0 : i32
        %dma_wait3A_101 = tpu.memref_slice %arg5[%run_scoped3A, %dma_wait3A_100] : memref<2x128xi32, #tpu.memory_space<vmem>> -> memref<1x128xi32, #tpu.memory_space<vmem>>
        %dma_wait3A_102 = tpu.memref_squeeze %dma_wait3A_101 : memref<1x128xi32, #tpu.memory_space<vmem>> -> memref<128xi32, #tpu.memory_space<vmem>>
        %dma_wait3A_103 = arith.constant 0 : i32
        %dma_wait3A_104 = arith.constant 0 : i32
        %dma_wait3A_105 = tpu.memref_slice %arg9[%dma_wait3A_103, %dma_wait3A_104] : memref<10240x128xf32, #tpu.memory_space<vmem_shared>> -> memref<10240x128xf32, #tpu.memory_space<vmem_shared>>
        tpu.wait_indirect_dma semaphore(%run_scoped3A_93 : memref<!tpu.dma_semaphore, #tpu.memory_space<semaphore_mem>>) src(%arg7 : memref<128x128xf32, #tpu.memory_space<vmem>>) dst(%dma_wait3A_105 : memref<10240x128xf32, #tpu.memory_space<vmem_shared>>)
        tpu.yield
      }) : () -> ()
      %mul3A_72 = arith.constant 2 : i32
      %mul3A_73 = arith.muli %mul3A_72, %scan3A_52 : i32
      %add3A_74 = arith.constant 2 : i32
      %add3A_75 = arith.addi %mul3A_73, %add3A_74 : i32
      %min3A = arith.constant 157 : i32
      %min3A_76 = arith.minsi %add3A_75, %min3A : i32
      %add3A_77 = arith.addi %mul3A_13, %min3A_76 : i32
      "tpu.region"() ({
        %run_scoped3A_93 = tpu.sem_alloc : memref<!tpu.dma_semaphore, #tpu.memory_space<semaphore_mem>>
        %dma_start3A_94 = arith.constant 0 : i32
        %dma_start3A_95 = arith.constant 0 : i32
        %dma_start3A_96 = tpu.memref_slice %arg3[%add3A_77, %dma_start3A_94, %dma_start3A_95] : memref<5056x2x128xi32, #tpu.memory_space<hbm>> -> memref<1x2x128xi32, #tpu.memory_space<hbm>>
        %dma_start3A_97 = tpu.memref_squeeze %dma_start3A_96 : memref<1x2x128xi32, #tpu.memory_space<hbm>> -> memref<2x128xi32, #tpu.memory_space<hbm>>
        %dma_start3A_98 = arith.constant 0 : i32
        %dma_start3A_99 = arith.constant 0 : i32
        %dma_start3A_100 = tpu.memref_slice %arg3[%add3A_77, %dma_start3A_98, %dma_start3A_99] : memref<5056x2x128xi32, #tpu.memory_space<hbm>> -> memref<1x2x128xi32, #tpu.memory_space<hbm>>
        %dma_start3A_101 = tpu.memref_squeeze %dma_start3A_100 : memref<1x2x128xi32, #tpu.memory_space<hbm>> -> memref<2x128xi32, #tpu.memory_space<hbm>>
        tpu.enqueue_dma source(%dma_start3A_101 : memref<2x128xi32, #tpu.memory_space<hbm>>) target(%arg5 : memref<2x128xi32, #tpu.memory_space<vmem>>) target_semaphore(%run_scoped3A_93 : memref<!tpu.dma_semaphore, #tpu.memory_space<semaphore_mem>>)
        %dma_wait3A_102 = arith.constant 0 : i32
        %dma_wait3A_103 = arith.constant 0 : i32
        %dma_wait3A_104 = tpu.memref_slice %arg3[%add3A_77, %dma_wait3A_102, %dma_wait3A_103] : memref<5056x2x128xi32, #tpu.memory_space<hbm>> -> memref<1x2x128xi32, #tpu.memory_space<hbm>>
        %dma_wait3A_105 = tpu.memref_squeeze %dma_wait3A_104 : memref<1x2x128xi32, #tpu.memory_space<hbm>> -> memref<2x128xi32, #tpu.memory_space<hbm>>
        %dma_wait3A_106 = arith.constant 0 : i32
        %dma_wait3A_107 = arith.constant 0 : i32
        %dma_wait3A_108 = tpu.memref_slice %arg3[%add3A_77, %dma_wait3A_106, %dma_wait3A_107] : memref<5056x2x128xi32, #tpu.memory_space<hbm>> -> memref<1x2x128xi32, #tpu.memory_space<hbm>>
        %dma_wait3A_109 = tpu.memref_squeeze %dma_wait3A_108 : memref<1x2x128xi32, #tpu.memory_space<hbm>> -> memref<2x128xi32, #tpu.memory_space<hbm>>
        tpu.wait_dma2 semaphore(%run_scoped3A_93 : memref<!tpu.dma_semaphore, #tpu.memory_space<semaphore_mem>>) src(%dma_wait3A_109 : memref<2x128xi32, #tpu.memory_space<hbm>>) dst(%arg5 : memref<2x128xi32, #tpu.memory_space<vmem>>)
        tpu.yield
      }) : () -> ()
      %dma_start3A_78 = arith.constant 0 : i32
      %dma_start3A_79 = arith.constant 0 : i32
      %dma_start3A_80 = tpu.memref_slice %arg5[%dma_start3A_78, %dma_start3A_79] : memref<2x128xi32, #tpu.memory_space<vmem>> -> memref<1x128xi32, #tpu.memory_space<vmem>>
      %dma_start3A_81 = tpu.memref_squeeze %dma_start3A_80 : memref<1x128xi32, #tpu.memory_space<vmem>> -> memref<128xi32, #tpu.memory_space<vmem>>
      %dma_start3A_82 = arith.constant 0 : i32
      %dma_start3A_83 = arith.constant 0 : i32
      %dma_start3A_84 = tpu.memref_slice %arg2[%dma_start3A_82, %dma_start3A_83] : memref<10000x128xf32, #tpu.memory_space<hbm>> -> memref<10000x128xf32, #tpu.memory_space<hbm>>
      tpu.enqueue_indirect_dma source(%dma_start3A_84 : memref<10000x128xf32, #tpu.memory_space<hbm>>) target(%arg7 : memref<128x128xf32, #tpu.memory_space<vmem>>) offsets(%dma_start3A_81 : memref<128xi32, #tpu.memory_space<vmem>>) semaphore(%arg10 : memref<!tpu.dma_semaphore, #tpu.memory_space<semaphore_mem>>)
      %dma_wait3A_85 = arith.constant 0 : i32
      %dma_wait3A_86 = arith.constant 0 : i32
      %dma_wait3A_87 = tpu.memref_slice %arg6[%dma_wait3A_85, %dma_wait3A_86] : memref<2x128xi32, #tpu.memory_space<vmem>> -> memref<1x128xi32, #tpu.memory_space<vmem>>
      %dma_wait3A_88 = tpu.memref_squeeze %dma_wait3A_87 : memref<1x128xi32, #tpu.memory_space<vmem>> -> memref<128xi32, #tpu.memory_space<vmem>>
      %dma_wait3A_89 = arith.constant 0 : i32
      %dma_wait3A_90 = arith.constant 0 : i32
      %dma_wait3A_91 = tpu.memref_slice %arg2[%dma_wait3A_89, %dma_wait3A_90] : memref<10000x128xf32, #tpu.memory_space<hbm>> -> memref<10000x128xf32, #tpu.memory_space<hbm>>
      tpu.wait_indirect_dma semaphore(%arg11 : memref<!tpu.dma_semaphore, #tpu.memory_space<semaphore_mem>>) src(%dma_wait3A_91 : memref<10000x128xf32, #tpu.memory_space<hbm>>) dst(%arg8 : memref<128x128xf32, #tpu.memory_space<vmem>>)
      %run_scoped3A_92 = arith.constant 1 : i32
      "tpu.region"() ({
        %run_scoped3A_93 = tpu.sem_alloc : memref<!tpu.dma_semaphore, #tpu.memory_space<semaphore_mem>>
        %dma_start3A_94 = arith.constant 0 : i32
        %dma_start3A_95 = tpu.memref_slice %arg6[%run_scoped3A_92, %dma_start3A_94] : memref<2x128xi32, #tpu.memory_space<vmem>> -> memref<1x128xi32, #tpu.memory_space<vmem>>
        %dma_start3A_96 = tpu.memref_squeeze %dma_start3A_95 : memref<1x128xi32, #tpu.memory_space<vmem>> -> memref<128xi32, #tpu.memory_space<vmem>>
        %dma_start3A_97 = arith.constant 0 : i32
        %dma_start3A_98 = arith.constant 0 : i32
        %dma_start3A_99 = tpu.memref_slice %arg9[%dma_start3A_97, %dma_start3A_98] : memref<10240x128xf32, #tpu.memory_space<vmem_shared>> -> memref<10240x128xf32, #tpu.memory_space<vmem_shared>>
        tpu.enqueue_indirect_dma source(%arg8 : memref<128x128xf32, #tpu.memory_space<vmem>>) target(%dma_start3A_99 : memref<10240x128xf32, #tpu.memory_space<vmem_shared>>) offsets(%dma_start3A_96 : memref<128xi32, #tpu.memory_space<vmem>>) semaphore(%run_scoped3A_93 : memref<!tpu.dma_semaphore, #tpu.memory_space<semaphore_mem>>) {add = true}
        %dma_wait3A_100 = arith.constant 0 : i32
        %dma_wait3A_101 = tpu.memref_slice %arg6[%run_scoped3A_92, %dma_wait3A_100] : memref<2x128xi32, #tpu.memory_space<vmem>> -> memref<1x128xi32, #tpu.memory_space<vmem>>
        %dma_wait3A_102 = tpu.memref_squeeze %dma_wait3A_101 : memref<1x128xi32, #tpu.memory_space<vmem>> -> memref<128xi32, #tpu.memory_space<vmem>>
        %dma_wait3A_103 = arith.constant 0 : i32
        %dma_wait3A_104 = arith.constant 0 : i32
        %dma_wait3A_105 = tpu.memref_slice %arg9[%dma_wait3A_103, %dma_wait3A_104] : memref<10240x128xf32, #tpu.memory_space<vmem_shared>> -> memref<10240x128xf32, #tpu.memory_space<vmem_shared>>
        tpu.wait_indirect_dma semaphore(%run_scoped3A_93 : memref<!tpu.dma_semaphore, #tpu.memory_space<semaphore_mem>>) src(%arg8 : memref<128x128xf32, #tpu.memory_space<vmem>>) dst(%dma_wait3A_105 : memref<10240x128xf32, #tpu.memory_space<vmem_shared>>)
        tpu.yield
      }) : () -> ()
    }
    %scan3A_25 = arith.constant 79 : i32
    %dma_wait3A = arith.constant 0 : i32
    %dma_wait3A_26 = arith.constant 0 : i32
    %dma_wait3A_27 = tpu.memref_slice %arg5[%dma_wait3A, %dma_wait3A_26] : memref<2x128xi32, #tpu.memory_space<vmem>> -> memref<1x128xi32, #tpu.memory_space<vmem>>
    %dma_wait3A_28 = tpu.memref_squeeze %dma_wait3A_27 : memref<1x128xi32, #tpu.memory_space<vmem>> -> memref<128xi32, #tpu.memory_space<vmem>>
    %dma_wait3A_29 = arith.constant 0 : i32
    %dma_wait3A_30 = arith.constant 0 : i32
    %dma_wait3A_31 = tpu.memref_slice %arg2[%dma_wait3A_29, %dma_wait3A_30] : memref<10000x128xf32, #tpu.memory_space<hbm>> -> memref<10000x128xf32, #tpu.memory_space<hbm>>
    tpu.wait_indirect_dma semaphore(%arg10 : memref<!tpu.dma_semaphore, #tpu.memory_space<semaphore_mem>>) src(%dma_wait3A_31 : memref<10000x128xf32, #tpu.memory_space<hbm>>) dst(%arg7 : memref<128x128xf32, #tpu.memory_space<vmem>>)
    %barrier3A_32 = arith.constant 0 : index
    tpu.barrier barrier_id(%barrier3A_32)
    %mul3A_33 = arith.constant 10000 : i32
    %mul3A_34 = arith.muli %arg0, %mul3A_33 : i32
    %mul3A_35 = arith.constant 624 : i32
    %mul3A_36 = arith.muli %arg1, %mul3A_35 : i32
    %add3A_37 = arith.addi %mul3A_34, %mul3A_36 : i32
    %mul3A_38 = arith.constant 624 : i32
    %mul3A_39 = arith.muli %arg1, %mul3A_38 : i32
    %scan3A_40 = arith.constant 0 : i32
    %scan3A_41 = arith.constant 0 : i32
    %scan3A_42 = arith.constant 4 : i32
    %scan3A_43 = arith.addi %scan3A_41, %scan3A_42 : i32
    %scan3A_44 = arith.constant 1 : i32
    scf.for %scan3A_52 = %scan3A_41 to %scan3A_43 step %scan3A_44  : i32 {
      %mul3A_53 = arith.constant 128 : i32
      %mul3A_54 = arith.muli %scan3A_52, %mul3A_53 : i32
      %add3A_55 = arith.addi %mul3A_39, %mul3A_54 : i32
      "tpu.region"() ({
        %run_scoped3A = tpu.sem_alloc : memref<!tpu.dma_semaphore, #tpu.memory_space<semaphore_mem>>
        %dma_start3A_59 = arith.constant 0 : i32
        %dma_start3A_60 = tpu.memref_slice %arg9[%add3A_55, %dma_start3A_59] : memref<10240x128xf32, #tpu.memory_space<vmem_shared>> -> memref<128x128xf32, #tpu.memory_space<vmem_shared>>
        %dma_start3A_61 = arith.constant 0 : i32
        %dma_start3A_62 = tpu.memref_slice %arg9[%add3A_55, %dma_start3A_61] : memref<10240x128xf32, #tpu.memory_space<vmem_shared>> -> memref<128x128xf32, #tpu.memory_space<vmem_shared>>
        tpu.enqueue_dma source(%dma_start3A_62 : memref<128x128xf32, #tpu.memory_space<vmem_shared>>) target(%arg7 : memref<128x128xf32, #tpu.memory_space<vmem>>) target_semaphore(%run_scoped3A : memref<!tpu.dma_semaphore, #tpu.memory_space<semaphore_mem>>)
        %dma_wait3A_63 = arith.constant 0 : i32
        %dma_wait3A_64 = tpu.memref_slice %arg9[%add3A_55, %dma_wait3A_63] : memref<10240x128xf32, #tpu.memory_space<vmem_shared>> -> memref<128x128xf32, #tpu.memory_space<vmem_shared>>
        %dma_wait3A_65 = arith.constant 0 : i32
        %dma_wait3A_66 = tpu.memref_slice %arg9[%add3A_55, %dma_wait3A_65] : memref<10240x128xf32, #tpu.memory_space<vmem_shared>> -> memref<128x128xf32, #tpu.memory_space<vmem_shared>>
        tpu.wait_dma2 semaphore(%run_scoped3A : memref<!tpu.dma_semaphore, #tpu.memory_space<semaphore_mem>>) src(%dma_wait3A_66 : memref<128x128xf32, #tpu.memory_space<vmem_shared>>) dst(%arg7 : memref<128x128xf32, #tpu.memory_space<vmem>>)
        tpu.yield
      }) : () -> ()
      %mul3A_56 = arith.constant 128 : i32
      %mul3A_57 = arith.muli %scan3A_52, %mul3A_56 : i32
      %add3A_58 = arith.addi %add3A_37, %mul3A_57 : i32
      "tpu.region"() ({
        %run_scoped3A = tpu.sem_alloc : memref<!tpu.dma_semaphore, #tpu.memory_space<semaphore_mem>>
        %dma_start3A_59 = arith.constant 0 : i32
        %dma_start3A_60 = tpu.memref_slice %arg4[%add3A_58, %dma_start3A_59] : memref<20000x128xf32, #tpu.memory_space<hbm>> -> memref<128x128xf32, #tpu.memory_space<hbm>>
        %dma_start3A_61 = arith.constant 0 : i32
        %dma_start3A_62 = tpu.memref_slice %arg4[%add3A_58, %dma_start3A_61] : memref<20000x128xf32, #tpu.memory_space<hbm>> -> memref<128x128xf32, #tpu.memory_space<hbm>>
        tpu.enqueue_dma source(%arg7 : memref<128x128xf32, #tpu.memory_space<vmem>>) target(%dma_start3A_62 : memref<128x128xf32, #tpu.memory_space<hbm>>) target_semaphore(%run_scoped3A : memref<!tpu.dma_semaphore, #tpu.memory_space<semaphore_mem>>)
        %dma_wait3A_63 = arith.constant 0 : i32
        %dma_wait3A_64 = tpu.memref_slice %arg4[%add3A_58, %dma_wait3A_63] : memref<20000x128xf32, #tpu.memory_space<hbm>> -> memref<128x128xf32, #tpu.memory_space<hbm>>
        %dma_wait3A_65 = arith.constant 0 : i32
        %dma_wait3A_66 = tpu.memref_slice %arg4[%add3A_58, %dma_wait3A_65] : memref<20000x128xf32, #tpu.memory_space<hbm>> -> memref<128x128xf32, #tpu.memory_space<hbm>>
        tpu.wait_dma2 semaphore(%run_scoped3A : memref<!tpu.dma_semaphore, #tpu.memory_space<semaphore_mem>>) src(%arg7 : memref<128x128xf32, #tpu.memory_space<vmem>>) dst(%dma_wait3A_66 : memref<128x128xf32, #tpu.memory_space<hbm>>)
        tpu.yield
      }) : () -> ()
    }
    %scan3A_45 = arith.constant 4 : i32
    %lt3A = arith.constant 15 : i32
    %lt3A_46 = arith.cmpi slt, %arg1, %lt3A : i32
    %convert_element_type3A = arith.extui %lt3A_46 : i1 to i32
    %cond3A = arith.constant 0 : i32
    %cond3A_47 = arith.cmpi ne, %convert_element_type3A, %cond3A : i32
    scf.if %cond3A_47 {
      %add3A_52 = arith.constant 512 : i32
      %add3A_53 = arith.addi %mul3A_39, %add3A_52 : i32
      "tpu.region"() ({
        %run_scoped3A = tpu.sem_alloc : memref<!tpu.dma_semaphore, #tpu.memory_space<semaphore_mem>>
        %dma_start3A_56 = arith.constant 0 : i32
        %dma_start3A_57 = arith.constant 0 : i32
        %dma_start3A_58 = tpu.memref_slice %arg7[%dma_start3A_56, %dma_start3A_57] : memref<128x128xf32, #tpu.memory_space<vmem>> -> memref<112x128xf32, #tpu.memory_space<vmem>>
        %dma_start3A_59 = arith.constant 0 : i32
        %dma_start3A_60 = tpu.memref_slice %arg9[%add3A_53, %dma_start3A_59] : memref<10240x128xf32, #tpu.memory_space<vmem_shared>> -> memref<112x128xf32, #tpu.memory_space<vmem_shared>>
        %dma_start3A_61 = arith.constant 0 : i32
        %dma_start3A_62 = arith.constant 0 : i32
        %dma_start3A_63 = tpu.memref_slice %arg7[%dma_start3A_61, %dma_start3A_62] : memref<128x128xf32, #tpu.memory_space<vmem>> -> memref<112x128xf32, #tpu.memory_space<vmem>>
        %dma_start3A_64 = arith.constant 0 : i32
        %dma_start3A_65 = tpu.memref_slice %arg9[%add3A_53, %dma_start3A_64] : memref<10240x128xf32, #tpu.memory_space<vmem_shared>> -> memref<112x128xf32, #tpu.memory_space<vmem_shared>>
        tpu.enqueue_dma source(%dma_start3A_65 : memref<112x128xf32, #tpu.memory_space<vmem_shared>>) target(%dma_start3A_63 : memref<112x128xf32, #tpu.memory_space<vmem>>) target_semaphore(%run_scoped3A : memref<!tpu.dma_semaphore, #tpu.memory_space<semaphore_mem>>)
        %dma_wait3A_66 = arith.constant 0 : i32
        %dma_wait3A_67 = arith.constant 0 : i32
        %dma_wait3A_68 = tpu.memref_slice %arg7[%dma_wait3A_66, %dma_wait3A_67] : memref<128x128xf32, #tpu.memory_space<vmem>> -> memref<112x128xf32, #tpu.memory_space<vmem>>
        %dma_wait3A_69 = arith.constant 0 : i32
        %dma_wait3A_70 = tpu.memref_slice %arg9[%add3A_53, %dma_wait3A_69] : memref<10240x128xf32, #tpu.memory_space<vmem_shared>> -> memref<112x128xf32, #tpu.memory_space<vmem_shared>>
        %dma_wait3A_71 = arith.constant 0 : i32
        %dma_wait3A_72 = arith.constant 0 : i32
        %dma_wait3A_73 = tpu.memref_slice %arg7[%dma_wait3A_71, %dma_wait3A_72] : memref<128x128xf32, #tpu.memory_space<vmem>> -> memref<112x128xf32, #tpu.memory_space<vmem>>
        %dma_wait3A_74 = arith.constant 0 : i32
        %dma_wait3A_75 = tpu.memref_slice %arg9[%add3A_53, %dma_wait3A_74] : memref<10240x128xf32, #tpu.memory_space<vmem_shared>> -> memref<112x128xf32, #tpu.memory_space<vmem_shared>>
        tpu.wait_dma2 semaphore(%run_scoped3A : memref<!tpu.dma_semaphore, #tpu.memory_space<semaphore_mem>>) src(%dma_wait3A_75 : memref<112x128xf32, #tpu.memory_space<vmem_shared>>) dst(%dma_wait3A_73 : memref<112x128xf32, #tpu.memory_space<vmem>>)
        tpu.yield
      }) : () -> ()
      %add3A_54 = arith.constant 512 : i32
      %add3A_55 = arith.addi %add3A_37, %add3A_54 : i32
      "tpu.region"() ({
        %run_scoped3A = tpu.sem_alloc : memref<!tpu.dma_semaphore, #tpu.memory_space<semaphore_mem>>
        %dma_start3A_56 = arith.constant 0 : i32
        %dma_start3A_57 = arith.constant 0 : i32
        %dma_start3A_58 = tpu.memref_slice %arg7[%dma_start3A_56, %dma_start3A_57] : memref<128x128xf32, #tpu.memory_space<vmem>> -> memref<112x128xf32, #tpu.memory_space<vmem>>
        %dma_start3A_59 = arith.constant 0 : i32
        %dma_start3A_60 = tpu.memref_slice %arg4[%add3A_55, %dma_start3A_59] : memref<20000x128xf32, #tpu.memory_space<hbm>> -> memref<112x128xf32, #tpu.memory_space<hbm>>
        %dma_start3A_61 = arith.constant 0 : i32
        %dma_start3A_62 = tpu.memref_slice %arg4[%add3A_55, %dma_start3A_61] : memref<20000x128xf32, #tpu.memory_space<hbm>> -> memref<112x128xf32, #tpu.memory_space<hbm>>
        %dma_start3A_63 = arith.constant 0 : i32
        %dma_start3A_64 = arith.constant 0 : i32
        %dma_start3A_65 = tpu.memref_slice %arg7[%dma_start3A_63, %dma_start3A_64] : memref<128x128xf32, #tpu.memory_space<vmem>> -> memref<112x128xf32, #tpu.memory_space<vmem>>
        tpu.enqueue_dma source(%dma_start3A_65 : memref<112x128xf32, #tpu.memory_space<vmem>>) target(%dma_start3A_62 : memref<112x128xf32, #tpu.memory_space<hbm>>) target_semaphore(%run_scoped3A : memref<!tpu.dma_semaphore, #tpu.memory_space<semaphore_mem>>)
        %dma_wait3A_66 = arith.constant 0 : i32
        %dma_wait3A_67 = arith.constant 0 : i32
        %dma_wait3A_68 = tpu.memref_slice %arg7[%dma_wait3A_66, %dma_wait3A_67] : memref<128x128xf32, #tpu.memory_space<vmem>> -> memref<112x128xf32, #tpu.memory_space<vmem>>
        %dma_wait3A_69 = arith.constant 0 : i32
        %dma_wait3A_70 = tpu.memref_slice %arg4[%add3A_55, %dma_wait3A_69] : memref<20000x128xf32, #tpu.memory_space<hbm>> -> memref<112x128xf32, #tpu.memory_space<hbm>>
        %dma_wait3A_71 = arith.constant 0 : i32
        %dma_wait3A_72 = tpu.memref_slice %arg4[%add3A_55, %dma_wait3A_71] : memref<20000x128xf32, #tpu.memory_space<hbm>> -> memref<112x128xf32, #tpu.memory_space<hbm>>
        %dma_wait3A_73 = arith.constant 0 : i32
        %dma_wait3A_74 = arith.constant 0 : i32
        %dma_wait3A_75 = tpu.memref_slice %arg7[%dma_wait3A_73, %dma_wait3A_74] : memref<128x128xf32, #tpu.memory_space<vmem>> -> memref<112x128xf32, #tpu.memory_space<vmem>>
        tpu.wait_dma2 semaphore(%run_scoped3A : memref<!tpu.dma_semaphore, #tpu.memory_space<semaphore_mem>>) src(%dma_wait3A_75 : memref<112x128xf32, #tpu.memory_space<vmem>>) dst(%dma_wait3A_72 : memref<112x128xf32, #tpu.memory_space<hbm>>)
        tpu.yield
      }) : () -> ()
    } else {
    }
    %eq3A = arith.constant 15 : i32
    %eq3A_48 = arith.cmpi eq, %arg1, %eq3A : i32
    %convert_element_type3A_49 = arith.extui %eq3A_48 : i1 to i32
    %cond3A_50 = arith.constant 0 : i32
    %cond3A_51 = arith.cmpi ne, %convert_element_type3A_49, %cond3A_50 : i32
    scf.if %cond3A_51 {
      %add3A_52 = arith.constant 512 : i32
      %add3A_53 = arith.addi %mul3A_39, %add3A_52 : i32
      "tpu.region"() ({
        %run_scoped3A = tpu.sem_alloc : memref<!tpu.dma_semaphore, #tpu.memory_space<semaphore_mem>>
        %dma_start3A_56 = arith.constant 0 : i32
        %dma_start3A_57 = tpu.memref_slice %arg9[%add3A_53, %dma_start3A_56] : memref<10240x128xf32, #tpu.memory_space<vmem_shared>> -> memref<128x128xf32, #tpu.memory_space<vmem_shared>>
        %dma_start3A_58 = arith.constant 0 : i32
        %dma_start3A_59 = tpu.memref_slice %arg9[%add3A_53, %dma_start3A_58] : memref<10240x128xf32, #tpu.memory_space<vmem_shared>> -> memref<128x128xf32, #tpu.memory_space<vmem_shared>>
        tpu.enqueue_dma source(%dma_start3A_59 : memref<128x128xf32, #tpu.memory_space<vmem_shared>>) target(%arg7 : memref<128x128xf32, #tpu.memory_space<vmem>>) target_semaphore(%run_scoped3A : memref<!tpu.dma_semaphore, #tpu.memory_space<semaphore_mem>>)
        %dma_wait3A_60 = arith.constant 0 : i32
        %dma_wait3A_61 = tpu.memref_slice %arg9[%add3A_53, %dma_wait3A_60] : memref<10240x128xf32, #tpu.memory_space<vmem_shared>> -> memref<128x128xf32, #tpu.memory_space<vmem_shared>>
        %dma_wait3A_62 = arith.constant 0 : i32
        %dma_wait3A_63 = tpu.memref_slice %arg9[%add3A_53, %dma_wait3A_62] : memref<10240x128xf32, #tpu.memory_space<vmem_shared>> -> memref<128x128xf32, #tpu.memory_space<vmem_shared>>
        tpu.wait_dma2 semaphore(%run_scoped3A : memref<!tpu.dma_semaphore, #tpu.memory_space<semaphore_mem>>) src(%dma_wait3A_63 : memref<128x128xf32, #tpu.memory_space<vmem_shared>>) dst(%arg7 : memref<128x128xf32, #tpu.memory_space<vmem>>)
        tpu.yield
      }) : () -> ()
      %add3A_54 = arith.constant 512 : i32
      %add3A_55 = arith.addi %add3A_37, %add3A_54 : i32
      "tpu.region"() ({
        %run_scoped3A = tpu.sem_alloc : memref<!tpu.dma_semaphore, #tpu.memory_space<semaphore_mem>>
        %dma_start3A_56 = arith.constant 0 : i32
        %dma_start3A_57 = tpu.memref_slice %arg4[%add3A_55, %dma_start3A_56] : memref<20000x128xf32, #tpu.memory_space<hbm>> -> memref<128x128xf32, #tpu.memory_space<hbm>>
        %dma_start3A_58 = arith.constant 0 : i32
        %dma_start3A_59 = tpu.memref_slice %arg4[%add3A_55, %dma_start3A_58] : memref<20000x128xf32, #tpu.memory_space<hbm>> -> memref<128x128xf32, #tpu.memory_space<hbm>>
        tpu.enqueue_dma source(%arg7 : memref<128x128xf32, #tpu.memory_space<vmem>>) target(%dma_start3A_59 : memref<128x128xf32, #tpu.memory_space<hbm>>) target_semaphore(%run_scoped3A : memref<!tpu.dma_semaphore, #tpu.memory_space<semaphore_mem>>)
        %dma_wait3A_60 = arith.constant 0 : i32
        %dma_wait3A_61 = tpu.memref_slice %arg4[%add3A_55, %dma_wait3A_60] : memref<20000x128xf32, #tpu.memory_space<hbm>> -> memref<128x128xf32, #tpu.memory_space<hbm>>
        %dma_wait3A_62 = arith.constant 0 : i32
        %dma_wait3A_63 = tpu.memref_slice %arg4[%add3A_55, %dma_wait3A_62] : memref<20000x128xf32, #tpu.memory_space<hbm>> -> memref<128x128xf32, #tpu.memory_space<hbm>>
        tpu.wait_dma2 semaphore(%run_scoped3A : memref<!tpu.dma_semaphore, #tpu.memory_space<semaphore_mem>>) src(%arg7 : memref<128x128xf32, #tpu.memory_space<vmem>>) dst(%dma_wait3A_63 : memref<128x128xf32, #tpu.memory_space<hbm>>)
        tpu.yield
      }) : () -> ()
    } else {
    }
    return
  }
}

module attributes {stable_mosaic.version = 14 : i64} {
  func.func @_tc_epilogue(%arg0: memref<20000x128xf32, #tpu.memory_space<vmem>>, %arg1: memref<128x128xf32, #tpu.memory_space<vmem>>, %arg2: memref<1x128xf32, #tpu.memory_space<vmem>>, %arg3: memref<128x64xf32, #tpu.memory_space<vmem>>, %arg4: memref<1x64xf32, #tpu.memory_space<vmem>>, %arg5: memref<1x64xf32, #tpu.memory_space<vmem>>, %arg6: memref<10000x128xf32, #tpu.memory_space<vmem>>, %arg7: memref<10000x128xf32, #tpu.memory_space<vmem>>, %arg8: memref<10000x128xf32, #tpu.memory_space<vmem>>) attributes {dimension_semantics = [], scalar_prefetch = 0 : i64, scratch_operands = 0 : i64, tpu.core_type = #tpu.core_type<tc>} {
    %get3A = arith.constant 0 : index
    %get3A_0 = arith.constant 0 : index
    %get3A_1 = vector.load %arg1[%get3A, %get3A_0] : memref<128x128xf32, #tpu.memory_space<vmem>>, vector<128x128xf32>
    %get3A_2 = arith.constant 0 : index
    %get3A_3 = arith.constant 0 : index
    %get3A_4 = vector.load %arg2[%get3A_2, %get3A_3] : memref<1x128xf32, #tpu.memory_space<vmem>>, vector<1x128xf32>
    %get3A_5 = arith.constant 0 : index
    %get3A_6 = arith.constant 0 : index
    %get3A_7 = vector.load %arg0[%get3A_5, %get3A_6] : memref<20000x128xf32, #tpu.memory_space<vmem>>, vector<10000x128xf32>
    %dot_general3A = arith.constant dense<0.000000e+00> : vector<10000x128xf32>
    %dot_general3A_8 = tpu.matmul %get3A_7, %get3A_1, %dot_general3A {dimension_numbers = #tpu.dot_dimension_numbers<[1], [0], [0], [1], [0, 0, 1, 1], [], []>, transpose_lhs_hint = false} : vector<10000x128xf32>, vector<128x128xf32>, vector<10000x128xf32> -> vector<10000x128xf32>
    %add3A = vector.broadcast %get3A_4 : vector<1x128xf32> to vector<10000x128xf32>
    %add3A_9 = arith.addf %dot_general3A_8, %add3A : vector<10000x128xf32>
    %max3A = arith.constant 0.000000e+00 : f32
    %max3A_10 = vector.broadcast %max3A : f32 to vector<10000x128xf32>
    %max3A_11 = arith.maximumf %add3A_9, %max3A_10 : vector<10000x128xf32>
    %get3A_12 = arith.constant 10000 : index
    %get3A_13 = arith.constant 0 : index
    %get3A_14 = vector.load %arg0[%get3A_12, %get3A_13] : memref<20000x128xf32, #tpu.memory_space<vmem>>, vector<10000x128xf32>
    %dot_general3A_15 = arith.constant dense<0.000000e+00> : vector<10000x128xf32>
    %dot_general3A_16 = tpu.matmul %get3A_14, %get3A_1, %dot_general3A_15 {dimension_numbers = #tpu.dot_dimension_numbers<[1], [0], [0], [1], [0, 0, 1, 1], [], []>, transpose_lhs_hint = false} : vector<10000x128xf32>, vector<128x128xf32>, vector<10000x128xf32> -> vector<10000x128xf32>
    %add3A_17 = vector.broadcast %get3A_4 : vector<1x128xf32> to vector<10000x128xf32>
    %add3A_18 = arith.addf %dot_general3A_16, %add3A_17 : vector<10000x128xf32>
    %max3A_19 = arith.constant 0.000000e+00 : f32
    %max3A_20 = vector.broadcast %max3A_19 : f32 to vector<10000x128xf32>
    %max3A_21 = arith.maximumf %add3A_18, %max3A_20 : vector<10000x128xf32>
    %swap3A = arith.constant 0 : index
    %swap3A_22 = arith.constant 0 : index
    %swap3A_23 = vector.load %arg7[%swap3A, %swap3A_22] : memref<10000x128xf32, #tpu.memory_space<vmem>>, vector<10000x128xf32>
    tpu.vector_store %arg7[%swap3A, %swap3A_22], %max3A_11 {strides = array<i32>} : memref<10000x128xf32, #tpu.memory_space<vmem>>, vector<10000x128xf32>,
    %swap3A_24 = arith.constant 0 : index
    %swap3A_25 = arith.constant 0 : index
    %swap3A_26 = vector.load %arg8[%swap3A_24, %swap3A_25] : memref<10000x128xf32, #tpu.memory_space<vmem>>, vector<10000x128xf32>
    tpu.vector_store %arg8[%swap3A_24, %swap3A_25], %max3A_21 {strides = array<i32>} : memref<10000x128xf32, #tpu.memory_space<vmem>>, vector<10000x128xf32>,
    %get3A_27 = arith.constant 0 : index
    %get3A_28 = arith.constant 0 : index
    %get3A_29 = vector.load %arg3[%get3A_27, %get3A_28] : memref<128x64xf32, #tpu.memory_space<vmem>>, vector<128x64xf32>
    %get3A_30 = arith.constant 0 : index
    %get3A_31 = arith.constant 0 : index
    %get3A_32 = vector.load %arg4[%get3A_30, %get3A_31] : memref<1x64xf32, #tpu.memory_space<vmem>>, vector<1x64xf32>
    %get3A_33 = arith.constant 0 : index
    %get3A_34 = arith.constant 0 : index
    %get3A_35 = vector.load %arg5[%get3A_33, %get3A_34] : memref<1x64xf32, #tpu.memory_space<vmem>>, vector<1x64xf32>
    %dot_general3A_36 = arith.constant dense<0.000000e+00> : vector<10000x64xf32>
    %dot_general3A_37 = tpu.matmul %max3A_11, %get3A_29, %dot_general3A_36 {dimension_numbers = #tpu.dot_dimension_numbers<[1], [0], [0], [1], [0, 0, 1, 1], [], []>, transpose_lhs_hint = false} : vector<10000x128xf32>, vector<128x64xf32>, vector<10000x64xf32> -> vector<10000x64xf32>
    %add3A_38 = vector.broadcast %get3A_32 : vector<1x64xf32> to vector<10000x64xf32>
    %add3A_39 = arith.addf %dot_general3A_37, %add3A_38 : vector<10000x64xf32>
    %tanh3A = math.tanh %add3A_39 : vector<10000x64xf32>
    %dot_general3A_40 = arith.constant dense<0.000000e+00> : vector<10000x64xf32>
    %dot_general3A_41 = tpu.matmul %max3A_21, %get3A_29, %dot_general3A_40 {dimension_numbers = #tpu.dot_dimension_numbers<[1], [0], [0], [1], [0, 0, 1, 1], [], []>, transpose_lhs_hint = false} : vector<10000x128xf32>, vector<128x64xf32>, vector<10000x64xf32> -> vector<10000x64xf32>
    %add3A_42 = vector.broadcast %get3A_32 : vector<1x64xf32> to vector<10000x64xf32>
    %add3A_43 = arith.addf %dot_general3A_41, %add3A_42 : vector<10000x64xf32>
    %tanh3A_44 = math.tanh %add3A_43 : vector<10000x64xf32>
    %mul3A = vector.broadcast %get3A_35 : vector<1x64xf32> to vector<10000x64xf32>
    %mul3A_45 = arith.mulf %tanh3A, %mul3A : vector<10000x64xf32>
    %reduce_sum3A = vector.shape_cast %mul3A_45 : vector<10000x64xf32> to vector<1x10000x64xf32>
    %reduce_sum3A_46 = arith.constant dense<0.000000e+00> : vector<1xf32>
    %reduce_sum3A_47 = vector.multi_reduction <add>, %reduce_sum3A, %reduce_sum3A_46 [1, 2] : vector<1x10000x64xf32> to vector<1xf32>
    %reduce_sum3A_48 = vector.shape_cast %reduce_sum3A_47 : vector<1xf32> to vector<1x1x1xf32>
    %reduce_sum3A_49 = vector.extract %reduce_sum3A_48[0, 0, 0] : f32 from vector<1x1x1xf32>
    %div3A = arith.constant 1.000000e+04 : f32
    %div3A_50 = arith.divf %reduce_sum3A_49, %div3A : f32
    %mul3A_51 = vector.broadcast %get3A_35 : vector<1x64xf32> to vector<10000x64xf32>
    %mul3A_52 = arith.mulf %tanh3A_44, %mul3A_51 : vector<10000x64xf32>
    %reduce_sum3A_53 = vector.shape_cast %mul3A_52 : vector<10000x64xf32> to vector<1x10000x64xf32>
    %reduce_sum3A_54 = arith.constant dense<0.000000e+00> : vector<1xf32>
    %reduce_sum3A_55 = vector.multi_reduction <add>, %reduce_sum3A_53, %reduce_sum3A_54 [1, 2] : vector<1x10000x64xf32> to vector<1xf32>
    %reduce_sum3A_56 = vector.shape_cast %reduce_sum3A_55 : vector<1xf32> to vector<1x1x1xf32>
    %reduce_sum3A_57 = vector.extract %reduce_sum3A_56[0, 0, 0] : f32 from vector<1x1x1xf32>
    %div3A_58 = arith.constant 1.000000e+04 : f32
    %div3A_59 = arith.divf %reduce_sum3A_57, %div3A_58 : f32
    %max3A_60 = arith.maximumf %div3A_50, %div3A_59 : f32
    %sub3A = arith.subf %div3A_50, %max3A_60 : f32
    %exp3A = math.exp %sub3A : f32
    %sub3A_61 = arith.subf %div3A_59, %max3A_60 : f32
    %exp3A_62 = math.exp %sub3A_61 : f32
    %add3A_63 = arith.addf %exp3A, %exp3A_62 : f32
    %div3A_64 = arith.divf %exp3A, %add3A_63 : f32
    %add3A_65 = arith.addf %exp3A, %exp3A_62 : f32
    %div3A_66 = arith.divf %exp3A_62, %add3A_65 : f32
    %mul3A_67 = vector.broadcast %div3A_64 : f32 to vector<10000x128xf32>
    %mul3A_68 = arith.mulf %mul3A_67, %max3A_11 : vector<10000x128xf32>
    %mul3A_69 = vector.broadcast %div3A_66 : f32 to vector<10000x128xf32>
    %mul3A_70 = arith.mulf %mul3A_69, %max3A_21 : vector<10000x128xf32>
    %add3A_71 = arith.addf %mul3A_68, %mul3A_70 : vector<10000x128xf32>
    %swap3A_72 = arith.constant 0 : index
    %swap3A_73 = arith.constant 0 : index
    %swap3A_74 = vector.load %arg6[%swap3A_72, %swap3A_73] : memref<10000x128xf32, #tpu.memory_space<vmem>>, vector<10000x128xf32>
    tpu.vector_store %arg6[%swap3A_72, %swap3A_73], %add3A_71 {strides = array<i32>} : memref<10000x128xf32, #tpu.memory_space<vmem>>, vector<10000x128xf32>,
    return
  }
}

</mosaic_0001>

<sc_bundles>
// kernel: kernel.4.cloned.1.call-start
scs
__scs_entry_jumppad:
0x0: {  	(pc) =	sbr.rel $0x88, $3  }
0x1: {  	(tag) =	ssettag $0x0;
	lr =	simm.s32 $0x1  }
0x2: {  	[smem:$0x3F9A] =	sst lr;
	_ =	strace $0xD0000000  }
0x3: {  	_ = 	snop  }
0x4: {  	_ = 	snop  }
0x5: {  	_ = 	snop  }
0x6: {  	_ = 	snop  }
0x7: {  	_ = 	snop  }
__scs_overlays_trampoline_lowered:
0x8: {  	[smem:$0x3FA9] =	sst s0  }
0x9: {  	[smem:$0x3FAA] =	sst s1  }
0xa: {  	[smem:$0x3FAB] =	sst s2  }
0xb: {  	[smem:$0x3FAC] =	sst s3  }
0xc: {  	[smem:$0x3FAD] =	sst s4  }
0xd: {  	[smem:$0x3FAE] =	sst s5  }
0xe: {  	[smem:$0x3FAF] =	sst s6  }
0xf: {  	[smem:$0x3FB0] =	sst s7  }
0x10: {  	[smem:$0x3FB1] =	sst s8  }
0x11: {  	[smem:$0x3FB2] =	sst s9;
	s0 =	simm.s32 @!p0 $0x0  }
0x12: {  	s1 =	sld [smem:$0x3F98];
	s0 =	simm.s32 @p0 $0x1  }
0x13: {  	[smem:$0x3FB3] =	sst s0;
	s0 =	simm.s32 @!p1 $0x0  }
0x14: {  	s2 =	sld [smem:$0x3F97];
	s0 =	simm.s32 @p1 $0x1  }
0x15: {  	[smem:$0x3FB4] =	sst s0;
	s0 =	simm.s32 @!p2 $0x0  }
0x16: {  	s3 =	sld [smem:$0x3FDB];
	s0 =	simm.s32 @p2 $0x1  }
0x17: {  	s4 =	simm.s32 $0x1BF5;
	[smem:$0x3FB6] =	sst s0  }
0x18: {  	s0 =	sld [smem:$0x3F99];
	_ =	swait.ge [sflag:s4], $0x0  }
0x19: {  	s7 =	sld [smem:$0x3F9A]  }
0x1a: {  	s8 =	sadd.s32 $0xFFFFE003, lr  }
0x1b: {  	s9 =	sadd.s32 $0xFFFFFEF7, lr;
	s5 =	simm.s32 $0xFFFFFFFF;
	p2 =	slt.u32 s8, $0xFFFFF086  }
0x1c: {  	p1 =	slt.u32 s9, $0xF7A;
	s5 =	simm.s32 @!p2 $0x0  }
0x1d: {  	s5 =	simm.s32 @p1 $0x1;
	p0 =	seq.s32 s7, s2  }
0x1e: {  	s7 =	smul.u32 @!p0 $0xF7A, s2;
	p2 =	seq.s32 @!p0 s5, $0x0  }
0x1f: {  	s9 =	smul.u32 $0xF7A, s1;
	s8 =	simm.s32 @!p0 $0x1BF5;
	p2 =	por !p2, p0  }
0x20: {  	[sflag:s8] =	ssyncset.s32 @!p0 $0xFFFFF086;
	s6 =	sadd.s32 @!p0 s3, s7;
	s7 =	simm.s32 @!p0 $0x108  }
0x21: {  	s3 =	sadd.s32 s3, s9;
	s6 =	sadd.s32 @!p0 $0x88, s6;
	s7 =	simm.s32 @p2 $0x1082  }
0x22: {  	[simem:s7], [sflag:s8] =	dma.local @!p0 [hbm:s6], $0xF7A  }
0x23: {  	s9 =	sor.u32 $0xD0000000, s2;
	s6 =	simm.s32 $0x108;
	_ =	swait.ge @!p0 [sflag:s8], $0x0  }
0x24: {  	s3 =	sadd.s32 $0x88, s3;
	s6 =	simm.s32 @!p1 $0x1082;
	[sflag:s4] =	ssyncset.s32 $0xFFFFF086  }
0x25: {  	[simem:s6], [sflag:s4] =	dma.local [hbm:s3], $0xF7A  }
0x26: {  	[smem:$0x3F9A] =	sst s1;
	(tag) =	ssettag s2;
	_ =	strace s9  }
0x27: {  	s1 =	sld [smem:$0x3FAA]  }
0x28: {  	s2 =	sld [smem:$0x3FAB]  }
0x29: {  	s4 =	sld [smem:$0x3FAD]  }
0x2a: {  	p0 =	seq.s32 s5, $0x0;
	s5 =	sld [smem:$0x3FAE]  }
0x2b: {  	s6 =	sld [smem:$0x3FAF]  }
0x2c: {  	s7 =	sld [smem:$0x3FB0]  }
0x2d: {  	s3 =	simm.s32 $0x108;
	s8 =	sld [smem:$0x3FB1]  }
0x2e: {  	s3 =	simm.s32 @!p0 $0x1082;
	s9 =	sld [smem:$0x3FB2]  }
0x2f: {  	lr =	sadd.s32 s0, s3;
	s0 =	sld [smem:$0x3FA9]  }
0x30: {  	s3 =	sld [smem:$0x3FAC]  }
0x31: {  	[smem:$0x3FB5] =	sst s10  }
0x32: {  	s10 =	sld [smem:$0x3FB3];
	_ =	sdelay $0x3  }
0x33: {  	p0 =	seq.s32 s10, $0x1;
	s10 =	sld [smem:$0x3FB5];
	_ =	sdelay $0x3  }
0x34: {  	[smem:$0x3FB5] =	sst s10  }
0x35: {  	s10 =	sld [smem:$0x3FB4];
	_ =	sdelay $0x3  }
0x36: {  	p1 =	seq.s32 s10, $0x1;
	s10 =	sld [smem:$0x3FB5];
	_ =	sdelay $0x3  }
0x37: {  	[smem:$0x3FB5] =	sst s10  }
0x38: {  	s10 =	sld [smem:$0x3FB6]  }
0x39: {  	_ = 	snop;
	(pc) =	sbr.ind lr, $3  }
0x3a: {  	_ = 	snop  }
0x3b: {  	_ = 	snop  }
0x3c: {  	p2 =	seq.s32 s10, $0x1;
	s10 =	sld [smem:$0x3FB5]  }
0x3d: {  	_ =	shalt  }
0x3e: {  	_ =	shalt  }
0x3f: {  	_ =	shalt  }
0x40: {  	_ =	shalt  }
0x41: {  	_ =	shalt  }
0x42: {  	_ =	shalt  }
0x43: {  	_ =	shalt  }
0x44: {  	_ =	shalt  }
0x45: {  	_ =	shalt  }
0x46: {  	_ =	shalt  }
0x47: {  	_ =	shalt  }
0x48: {  	_ =	shalt  }
0x49: {  	_ =	shalt  }
0x4a: {  	_ =	shalt  }
0x4b: {  	_ =	shalt  }
0x4c: {  	_ =	shalt  }
0x4d: {  	_ =	shalt  }
0x4e: {  	_ =	shalt  }
0x4f: {  	_ =	shalt  }
0x50: {  	_ =	shalt  }
0x51: {  	_ =	shalt  }
0x52: {  	_ =	shalt  }
0x53: {  	_ =	shalt  }
0x54: {  	_ =	shalt  }
0x55: {  	_ =	shalt  }
0x56: {  	_ =	shalt  }
0x57: {  	_ =	shalt  }
0x58: {  	_ =	shalt  }
0x59: {  	_ =	shalt  }
0x5a: {  	_ =	shalt  }
0x5b: {  	_ =	shalt  }
0x5c: {  	_ =	shalt  }
0x5d: {  	_ =	shalt  }
0x5e: {  	_ =	shalt  }
0x5f: {  	_ =	shalt  }
0x60: {  	_ =	shalt  }
0x61: {  	_ =	shalt  }
0x62: {  	_ =	shalt  }
0x63: {  	_ =	shalt  }
0x64: {  	_ =	shalt  }
0x65: {  	_ =	shalt  }
0x66: {  	_ =	shalt  }
0x67: {  	_ =	shalt  }
0x68: {  	_ =	shalt  }
0x69: {  	_ =	shalt  }
0x6a: {  	_ =	shalt  }
0x6b: {  	_ =	shalt  }
0x6c: {  	_ =	shalt  }
0x6d: {  	_ =	shalt  }
0x6e: {  	_ =	shalt  }
0x6f: {  	_ =	shalt  }
0x70: {  	_ =	shalt  }
0x71: {  	_ =	shalt  }
0x72: {  	_ =	shalt  }
0x73: {  	_ =	shalt  }
0x74: {  	_ =	shalt  }
0x75: {  	_ =	shalt  }
0x76: {  	_ =	shalt  }
0x77: {  	_ =	shalt  }
0x78: {  	_ =	shalt  }
0x79: {  	_ =	shalt  }
0x7a: {  	_ =	shalt  }
0x7b: {  	_ =	shalt  }
0x7c: {  	_ =	shalt  }
0x7d: {  	_ =	shalt  }
0x7e: {  	_ =	shalt  }
0x7f: {  	_ =	shalt  }
0x80: {  	_ =	shalt  }
0x81: {  	_ =	shalt  }
0x82: {  	_ =	shalt  }
0x83: {  	_ =	shalt  }
0x84: {  	_ =	shalt  }
0x85: {  	_ =	shalt  }
0x86: {  	_ =	shalt  }
0x87: {  	_ =	shalt  }
.Lfunc_end0:
.L_simem_size_0:
called_computation_lowered:
.L_overlay_start_0:
0x88: {  	s2 =	sld [smem:$0x3FD9]  }
0x89: {  	s3 =	sld [smem:$0x3FFE];
	_ =	sdelay $0x1  }
0x8a: {  	s1 =	srdreg.scid  }
0x8b: {  	s0 =	sand.u32 $0x1, s1  }
0x8c: {  	s17 =	sshll.u32 s0, $0xA;
	s2 =	sadd.s32 s3, s2  }
0x8d: {  	s2 =	sadd.s32 s2, s17  }
0x8e: {  	[smem:$0x3FC1] =	sst s2  }
0x8f: {  	_ = 	snop  }
0x90: {  	s2 =	sld [smem:$0x3FC9];
	(tm) =	ssettm $0x1  }
0x91: {  	s18 =	sld [smem:$0x3FFB];
	_ =	sdelay $0x3  }
0x92: {  	_ =	strace s18  }
0x93: {  	s3 =	sld [smem:$0x3FFC];
	_ =	sdelay $0x3  }
0x94: {  	_ =	strace s3  }
0x95: {  	s3 =	sld [smem:$0x3FFD];
	_ =	sdelay $0x3  }
0x96: {  	_ =	strace s3  }
0x97: {  	_ =	strace $0x8FFFFFFF  }
0x98: {  	s19 =	sld [smem:$0x3FDB];
	_ =	sdelay $0x1  }
0x99: {  	s4 =	simm.s32 $_scs_section_size  }
0x9a: {  	s5 =	simm.s32 $_size__tile_overlayer_lowered;
	s6 =	simm.s32 $_tile_overlayer_lowered  }
0x9b: {  	s22 =	simm.s32 $0x1BFF;
	s21 =	sshll.u32 s6, $0x1;
	s3 =	sadd.s32 s4, s19  }
0x9c: {  	s7 =	simm.s32 $0x0;
	s20 =	sshll.u32 s5, $0x1;
	s5 =	sadd.s32 s21, s3  }
0x9d: {  	[timem:s7], [sflag:s22] =	dma.local [hbm:s5], s20  }
0x9e: {  	_ =	swait.ge [sflag:s22], s20  }
0x9f: {  	s4 =	ssub.s32 $0x0, s20;
	[sflag:s22] =	ssyncset.done $0x0  }
0xa0: {  	[sflag:s22] =	ssyncadd.s32 s4;
	_ =	sdelay $0x1  }
0xa1: {  	s23 =	simm.s32 $0x1B8B  }
0xa2: {  	_ =	swait.ge [sflag:s23], $0x1  }
0xa3: {  	[sflag:s23] =	ssyncset.done $0x0  }
0xa4: {  	s25 =	simm.s32 $0x1B8E;
	s24 =	sld [smem:$0x3FFE];
	[sflag:s23] =	ssyncadd.s32 $0xFFFFFFFF  }
0xa5: {  	s26 =	simm.s32 $execute0_lowered;
	[smem:$0x3FD2] =	sst s25  }
0xa6: {  	s5 =	sshll.u32 s26, $0x1;
	_ =	strace $0x80000046;
	[dreg:$0x1] =	wrdreg $0xFFFFFFFF  }
0xa7: {  	s28 =	simm.s32 $_size_execute0_lowered;
	s3 =	sadd.s32 s3, s5;
	[dreg:$0x0] =	wrdreg $0x0  }
0xa8: {  	s5 =	sshll.u32 s28, $0x1;
	[dreg:$0x2] =	wrdreg s3  }
0xa9: {  	[dreg:$0x3] =	wrdreg s5  }
0xaa: {  	[dreg:$0x4] =	wrdreg $0xC0  }
0xab: {  	_ =	task [dreg:s7], $0x5FFFF  }
0xac: {  	[dreg:$0x1] =	wrdreg $0xFFFFFFFF  }
0xad: {  	[dreg:$0x0] =	wrdreg $0x60  }
0xae: {  	[dreg:$0x2] =	wrdreg s2  }
0xaf: {  	[dreg:$0x3] =	wrdreg s24  }
0xb0: {  	[dreg:$0x4] =	wrdreg $0x82000  }
0xb1: {  	[dreg:$0x5] =	wrdreg $0x9  }
0xb2: {  	_ =	task.clear_ibuf [dreg:s7], $0x6FFFF;
	_ =	strace $0x90000046  }
0xb3: {  	s29 =	simm.s32 $0x9;
	_ =	strace $0x80000048  }
0xb4: {  	_ =	swait.ge [sflag:s29], $0x1  }
0xb5: {  	[sflag:s29] =	ssyncadd.s32 $0xFFFFFFFF  }
0xb6: {  	_ =	strace $0x90000048  }
0xb7: {  	_ =	sfence  }
0xb8: {  	s30 =	sld [smem:$0x0];
	_ =	sdelay $0x2  }
0xb9: {  	s31 =	sshll.u32 s1, $0xD;
	s1 =	sshrl.u32 s1, $0x2  }
0xba: {  	s3 =	sand.u32 $0x4000, s31;
	s1 =	sadd.s32 s1, s30  }
0xbb: {  	s0 =	sor.u32 s3, s0;
	s1 =	sshll.u32 s1, $0x11  }
0xbc: {  	s0 =	sor.u32 s1, s0  }
0xbd: {  	s0 =	sadd.s32 $0x8F2B, s0  }
0xbe: {  	[sflag:s0] =	ssyncadd.remote.s32 $0x1  }
0xbf: {  	_ =	sfence.sel $0xFFFF  }
0xc0: {  	[dreg:$0x0] =	wrdreg $0xFFFFFFFF;
	(pc) =	sbr.abs _section_cstart, $3  }
0xc1: {  	[dreg:$0x1] =	wrdreg $0xFFFFFFFF  }
0xc2: {  	_ =	task.clear_ibuf [dreg:s7], $0x2FFFF;
	_ =	strace $0x9FFFFFFF  }
0xc3: {  	(tm) =	ssettm $0x7FFFFFFF  }
tec
execute0_lowered:
.L_overlay_start_1:
0x0: {  	(tag) =	ssettag $0x1  }
0x1: {  	s1 =	rddreg [dreg:$0x0];
	s0 =	srdreg.scid  }
0x2: {  	s2 =	rddreg [dreg:$0x1];
	s12 =	stileid.u32  }
0x3: {  	s3 =	rddreg [dreg:$0x2];
	s6 =	smul.u32 $0x270, s12  }
0x4: {  	s4 =	simm.s32 $0x0;
	s28 =	simm.s32 $0x3;
	s15 =	smul.u32 $0x4E000, s12  }
0x5: {  	s29 =	simm.s32 $0x80;
	s30 =	simm.s32 $0x100;
	s9 =	smul.u32 $0x50000, s12  }
0x6: {  	s31 =	simm.s32 $0x4200;
	s0 =	sand.u32 $0x1, s0;
	s25 =	smul.u32 $0x9E, s12  }
0x7: {  	[smem:$0x7FF] =	sst s4;
	s8 =	sadd.s32 $0x1600, s2;
	s26 =	smul.u32 $0x13C0, s12  }
0x8: {  	s19 =	sadd.s32 $0x134800, s3;
	p0 =	seq.s32 s12, $0xF;
	s5 =	smul.u32 $0x2710, s0  }
0x9: {  	_ =	strace $0x80000047;
	s14 =	sshll.u32 s0, $0x4;
	s22 =	smul.u32 $0x9E0, s0  }
0xa: {  	s7 =	ssub.s32 $0x2, s0;
	[dreg:$0x5] =	wrdreg s19;
	s0 =	smul.u32 $0x13C00, s0  }
0xb: {  	s10 =	sshrl.u32 s7, $0x1;
	s16 =	sshrl.u32 s15, $0x2;
	s17 =	sshrl.u32 s9, $0x2  }
0xc: {  	s5 =	sadd.s32 s6, s5;
	s10 =	ssub.s32 s7, s10;
	s6 =	sadd.s32 s17, s3  }
0xd: {  	s0 =	sadd.s32 s0, s8;
	s5 =	sshll.u32 s5, $0x4;
	s10 =	smax.u32 s10, $0x1  }
0xe: {  	s20 =	sadd.s32 $0x4000, s6;
	s21 =	sadd.s32 $0x8000, s6;
	[dreg:$0x6] =	wrdreg s10  }
0xf: {  	s23 =	sadd.s32 $0xC000, s6;
	s24 =	sadd.s32 $0x10000, s6;
	[dreg:$0x7] =	wrdreg s20  }
0x10: {  	s0 =	sadd.s32 s26, s0;
	s26 =	simm.s32 $0x200;
	[dreg:$0x8] =	wrdreg s21  }
0x11: {  	s2 =	sadd.s32 s5, s2;
	s5 =	sor.u32 s12, s14;
	[dreg:$0x9] =	wrdreg s23  }
0x12: {  	[dreg:$0xa] =	wrdreg s24;
	s10 =	sadd.s32 s25, s22;
	s25 =	sadd.s32 $0x20, s0  }
0x13: {  	s0 =	simm.s32 $0x2;
	s11 =	smul.u32 $0x13C0, s5;
	s5 =	sadd.s32 s16, s3  }
0x14: {  	s9 =	sadd.s32 $0x2AE00, s2;
	s17 =	sadd.s32 $0x28E00, s2;
	s19 =	sadd.s32 $0x29600, s2  }
0x15: {  	s10 =	sshll.u32 s10, $0x5;
	s21 =	sadd.s32 $0x29E00, s2;
	s23 =	sadd.s32 $0x2A600, s2  }
0x16: {  	s2 =	simm.s32 $0x1;
	s18 =	sadd.s32 $0x10000, s5;
	s20 =	sadd.s32 $0x8000, s5  }
0x17: {  	s10 =	sadd.s32 s10, s8;
	s22 =	sadd.s32 $0xC000, s5;
	s7 =	sadd.s32 s8, s11  }
0x18: {  	[dreg:$0x4] =	wrdreg s18;
	s18 =	sadd.s32 $0x4000, s5;
	s24 =	sadd.s32 $0x40, s10  }
0x19: {  	v0 =	vimm.f32 $0.0e+00;
	s8 =	simm.s32 $0x180;
	s10 =	simm.s32 $0x0;
	s16 =	sadd.s32 $0x13A0, s7  }
.LBB2_1:
0x1a: {  	s11 =	simm.s32 $0x0;
	s12 =	simm.s32 $0x200  }
.LBB2_2:
0x1b: {  	p1 =	sne.s32 s12, $0xFE00;
	[tilespmem:s11+$0x270] =	vst v0  }
0x1c: {  	[tilespmem:s11+$0x200] =	vst v0  }
0x1d: {  	[tilespmem:s11+$0x210] =	vst v0  }
.Ltmp0:
0x1e: {  	[tilespmem:s11+$0x220] =	vst v0;
	(pc) =	sbr.rel @p1 .LBB2_2-.Ltmp0, $4  }
0x1f: {  	[tilespmem:s11+$0x230] =	vst v0  }
0x20: {  	[tilespmem:s11+$0x240] =	vst v0  }
0x21: {  	[tilespmem:s11+$0x250] =	vst v0  }
0x22: {  	[tilespmem:s11+$0x260] =	vst v0;
	s11 =	sshra.s32 s12, $0x2;
	s12 =	sadd.s32 $0x200, s12  }
0x23: {  	[tilespmem:s11+$0x270] =	vst v0  }
0x24: {  	[tilespmem:s11+$0x200] =	vst v0  }
0x25: {  	[tilespmem:s11+$0x210] =	vst v0  }
0x26: {  	[tilespmem:s11+$0x220] =	vst v0  }
0x27: {  	[tilespmem:s11+$0x230] =	vst v0  }
0x28: {  	[tilespmem:s11+$0x240] =	vst v0  }
0x29: {  	[tilespmem:s11+$0x250] =	vst v0  }
0x2a: {  	[tilespmem:s11+$0x260] =	vst v0  }
0x2b: {  	[spmem:s6] =	stream.linear.scatter [tilespmem:s26], [sflag:$0x3], $0x4000, $0x38;
	[tilespmem:$0x1C200] =	vst v63  }
0x2c: {  	_ =	swait.ge [sflag:s28], $0x4000  }
0x2d: {  	[sflag:s28] =	ssyncset.done $0x0  }
0x2e: {  	s13 =	rddreg [dreg:$0x7];
	[sflag:s28] =	ssyncadd.s32 $0xFFFFC000  }
0x2f: {  	[spmem:s13] =	stream.linear.scatter [tilespmem:s26], [sflag:$0x3], $0x4000, $0x38;
	[tilespmem:$0x1C200] =	vst v63  }
0x30: {  	_ =	swait.ge [sflag:s28], $0x4000  }
0x31: {  	[sflag:s28] =	ssyncset.done $0x0  }
0x32: {  	s14 =	rddreg [dreg:$0x8];
	[sflag:s28] =	ssyncadd.s32 $0xFFFFC000  }
0x33: {  	[spmem:s14] =	stream.linear.scatter [tilespmem:s26], [sflag:$0x3], $0x4000, $0x38;
	[tilespmem:$0x1C200] =	vst v63  }
0x34: {  	_ =	swait.ge [sflag:s28], $0x4000  }
0x35: {  	[sflag:s28] =	ssyncset.done $0x0  }
0x36: {  	s15 =	rddreg [dreg:$0x9];
	[sflag:s28] =	ssyncadd.s32 $0xFFFFC000  }
0x37: {  	[spmem:s15] =	stream.linear.scatter [tilespmem:s26], [sflag:$0x3], $0x4000, $0x38;
	[tilespmem:$0x1C200] =	vst v63  }
0x38: {  	_ =	swait.ge [sflag:s28], $0x4000  }
0x39: {  	[sflag:s28] =	ssyncset.done $0x0  }
0x3a: {  	s12 =	rddreg [dreg:$0xa];
	[sflag:s28] =	ssyncadd.s32 $0xFFFFC000  }
0x3b: {  	[spmem:s12] =	stream.linear.scatter [tilespmem:s26], [sflag:$0x3], $0x4000, $0x38;
	[tilespmem:$0x1C200] =	vst v63  }
0x3c: {  	_ =	swait.ge [sflag:s28], $0x4000  }
0x3d: {  	[sflag:s28] =	ssyncset.done $0x0  }
0x3e: {  	[sflag:s28] =	ssyncadd.s32 $0xFFFFC000  }
0x3f: {  	s13 =	simm.s32 $0x0;
	[bflag:$0x0] =	sbarrier.arrive $0xFFFF  }
0x40: {  	[tilespmem:s13], [sflag:$0x3] =	stream.linear.gather [hbm4b:s7+s13], $0x100, $0x38;
	[tilespmem:$0x1C200] =	vst v63  }
0x41: {  	_ =	swait.ge [sflag:s28], $0x100  }
0x42: {  	[sflag:s28] =	ssyncset.done $0x0  }
0x43: {  	[sflag:s28] =	ssyncadd.s32 $0xFFFFFF00  }
0x44: {  	[tilespmem:s26], [sflag:$0x1] =	stream.indirect.gather [hbm4b:s1+s29], $0x80, s13, s29, $0xb8;
	[tilespmem:$0x1C200] =	vst v63  }
0x45: {  	s14 =	sadd.s32 $0x0, s25  }
0x46: {  	[tilespmem:s30], [sflag:$0x3] =	stream.linear.gather [hbm4b:s14+s4], $0x100, $0x38;
	[tilespmem:$0x1C200] =	vst v63  }
0x47: {  	_ =	swait.ge [sflag:s28], $0x100  }
0x48: {  	[sflag:s28] =	ssyncset.done $0x0  }
0x49: {  	[sflag:s28] =	ssyncadd.s32 $0xFFFFFF00  }
0x4a: {  	[tilespmem:s31], [sflag:$0x2] =	stream.indirect.gather [hbm4b:s1+s29], $0x80, s30, s29, $0xb8;
	[tilespmem:$0x1C200] =	vst v63  }
0x4b: {  	_ =	swait.ge [sflag:s2], $0x4000  }
0x4c: {  	[sflag:s2] =	ssyncset.done $0x0  }
0x4d: {  	[sflag:s2] =	ssyncadd.s32 $0xFFFFC000  }
0x4e: {  	[spmem:s3] =	stream.indirect.scatter.add.f32 [tilespmem:s26], [sflag:$0x3], $0x80, s29, s29, $0xb8;
	[tilespmem:$0x1C200] =	vst v63  }
0x4f: {  	_ =	swait.ge [sflag:s28], $0x4000  }
0x50: {  	[sflag:s28] =	ssyncset.done $0x0  }
0x51: {  	s15 =	sadd.s32 $0x0, s24;
	[sflag:s28] =	ssyncadd.s32 $0xFFFFC000  }
0x52: {  	[tilespmem:s4], [sflag:$0x3] =	stream.linear.gather [hbm4b:s15+s4], $0x100, $0x38;
	[tilespmem:$0x1C200] =	vst v63  }
0x53: {  	_ =	swait.ge [sflag:s28], $0x100  }
0x54: {  	[sflag:s28] =	ssyncset.done $0x0  }
0x55: {  	[sflag:s28] =	ssyncadd.s32 $0xFFFFFF00  }
0x56: {  	[tilespmem:s26], [sflag:$0x1] =	stream.indirect.gather [hbm4b:s1+s29], $0x80, s4, s29, $0xb8;
	[tilespmem:$0x1C200] =	vst v63  }
0x57: {  	_ =	swait.ge [sflag:s0], $0x4000  }
0x58: {  	[sflag:s0] =	ssyncset.done $0x0  }
0x59: {  	[sflag:s0] =	ssyncadd.s32 $0xFFFFC000  }
0x5a: {  	[spmem:s3] =	stream.indirect.scatter.add.f32 [tilespmem:s31], [sflag:$0x3], $0x80, s8, s29, $0xb8;
	[tilespmem:$0x1C200] =	vst v63  }
0x5b: {  	_ =	swait.ge [sflag:s28], $0x4000  }
0x5c: {  	s11 =	simm.s32 $0x40;
	s12 =	simm.s32 $0x80;
	[sflag:s28] =	ssyncset.done $0x0  }
.LBB2_4:
0x5d: {  	s13 =	sadd.s32 s11, s25  }
0x5e: {  	[sflag:s28] =	ssyncadd.s32 $0xFFFFC000;
	s14 =	smov.u32 s12;
	s15 =	sadd.s32 $0x40, s12  }
0x5f: {  	[tilespmem:s30], [sflag:$0x3] =	stream.linear.gather [hbm4b:s13+s4], $0x100, $0x38;
	[tilespmem:$0x1C200] =	vst v63  }
0x60: {  	p1 =	sne.s32 s12, $0x1340;
	_ =	swait.ge [sflag:s28], $0x100  }
0x61: {  	[sflag:s28] =	ssyncset.done $0x0  }
0x62: {  	[sflag:s28] =	ssyncadd.s32 $0xFFFFFF00  }
0x63: {  	[tilespmem:s31], [sflag:$0x2] =	stream.indirect.gather [hbm4b:s1+s29], $0x80, s30, s29, $0xb8;
	[tilespmem:$0x1C200] =	vst v63  }
0x64: {  	_ =	swait.ge [sflag:s2], $0x4000  }
0x65: {  	[sflag:s2] =	ssyncset.done $0x0  }
0x66: {  	[sflag:s2] =	ssyncadd.s32 $0xFFFFC000  }
0x67: {  	[spmem:s3] =	stream.indirect.scatter.add.f32 [tilespmem:s26], [sflag:$0x3], $0x80, s29, s29, $0xb8;
	[tilespmem:$0x1C200] =	vst v63  }
0x68: {  	_ =	swait.ge [sflag:s28], $0x4000  }
0x69: {  	[sflag:s28] =	ssyncset.done $0x0  }
0x6a: {  	s12 =	sadd.s32 s11, s24;
	s11 =	smov.u32 s14;
	[sflag:s28] =	ssyncadd.s32 $0xFFFFC000  }
0x6b: {  	[tilespmem:s4], [sflag:$0x3] =	stream.linear.gather [hbm4b:s12+s4], $0x100, $0x38;
	[tilespmem:$0x1C200] =	vst v63  }
0x6c: {  	_ =	swait.ge [sflag:s28], $0x100  }
0x6d: {  	[sflag:s28] =	ssyncset.done $0x0  }
0x6e: {  	[sflag:s28] =	ssyncadd.s32 $0xFFFFFF00  }
0x6f: {  	[tilespmem:s26], [sflag:$0x1] =	stream.indirect.gather [hbm4b:s1+s29], $0x80, s4, s29, $0xb8;
	[tilespmem:$0x1C200] =	vst v63  }
0x70: {  	_ =	swait.ge [sflag:s0], $0x4000  }
.Ltmp1:
0x71: {  	[sflag:s0] =	ssyncset.done $0x0;
	(pc) =	sbr.rel @p1 .LBB2_4-.Ltmp1, $4  }
0x72: {  	[sflag:s0] =	ssyncadd.s32 $0xFFFFC000  }
0x73: {  	[spmem:s3] =	stream.indirect.scatter.add.f32 [tilespmem:s31], [sflag:$0x3], $0x80, s8, s29, $0xb8;
	[tilespmem:$0x1C200] =	vst v63  }
0x74: {  	_ =	swait.ge [sflag:s28], $0x4000  }
0x75: {  	s12 =	smov.u32 s15;
	[sflag:s28] =	ssyncset.done $0x0  }
0x76: {  	s12 =	sadd.s32 s11, s25;
	[sflag:s28] =	ssyncadd.s32 $0xFFFFC000  }
0x77: {  	[tilespmem:s30], [sflag:$0x3] =	stream.linear.gather [hbm4b:s12+s4], $0x100, $0x38;
	[tilespmem:$0x1C200] =	vst v63  }
0x78: {  	_ =	swait.ge [sflag:s28], $0x100  }
0x79: {  	[sflag:s28] =	ssyncset.done $0x0  }
0x7a: {  	[sflag:s28] =	ssyncadd.s32 $0xFFFFFF00  }
0x7b: {  	[tilespmem:s31], [sflag:$0x2] =	stream.indirect.gather [hbm4b:s1+s29], $0x80, s30, s29, $0xb8;
	[tilespmem:$0x1C200] =	vst v63  }
0x7c: {  	_ =	swait.ge [sflag:s2], $0x4000  }
0x7d: {  	[sflag:s2] =	ssyncset.done $0x0  }
0x7e: {  	[sflag:s2] =	ssyncadd.s32 $0xFFFFC000  }
0x7f: {  	[spmem:s3] =	stream.indirect.scatter.add.f32 [tilespmem:s26], [sflag:$0x3], $0x80, s29, s29, $0xb8;
	[tilespmem:$0x1C200] =	vst v63  }
0x80: {  	_ =	swait.ge [sflag:s28], $0x4000  }
0x81: {  	[sflag:s28] =	ssyncset.done $0x0  }
0x82: {  	s14 =	sadd.s32 s11, s24;
	[sflag:s28] =	ssyncadd.s32 $0xFFFFC000  }
0x83: {  	[tilespmem:s4], [sflag:$0x3] =	stream.linear.gather [hbm4b:s14+s4], $0x100, $0x38;
	[tilespmem:$0x1C200] =	vst v63  }
0x84: {  	_ =	swait.ge [sflag:s28], $0x100  }
0x85: {  	[sflag:s28] =	ssyncset.done $0x0  }
0x86: {  	[sflag:s28] =	ssyncadd.s32 $0xFFFFFF00  }
0x87: {  	[tilespmem:s26], [sflag:$0x1] =	stream.indirect.gather [hbm4b:s1+s29], $0x80, s4, s29, $0xb8;
	[tilespmem:$0x1C200] =	vst v63  }
0x88: {  	_ =	swait.ge [sflag:s0], $0x4000  }
0x89: {  	[sflag:s0] =	ssyncset.done $0x0  }
0x8a: {  	[sflag:s0] =	ssyncadd.s32 $0xFFFFC000  }
0x8b: {  	[spmem:s3] =	stream.indirect.scatter.add.f32 [tilespmem:s31], [sflag:$0x3], $0x80, s8, s29, $0xb8;
	[tilespmem:$0x1C200] =	vst v63  }
0x8c: {  	_ =	swait.ge [sflag:s28], $0x4000  }
0x8d: {  	[sflag:s28] =	ssyncset.done $0x0  }
0x8e: {  	[sflag:s28] =	ssyncadd.s32 $0xFFFFC000  }
0x8f: {  	[tilespmem:s30], [sflag:$0x3] =	stream.linear.gather [hbm4b:s16+s4], $0x100, $0x38;
	[tilespmem:$0x1C200] =	vst v63  }
0x90: {  	_ =	swait.ge [sflag:s28], $0x100  }
0x91: {  	[sflag:s28] =	ssyncset.done $0x0  }
0x92: {  	[sflag:s28] =	ssyncadd.s32 $0xFFFFFF00  }
0x93: {  	[tilespmem:s31], [sflag:$0x2] =	stream.indirect.gather [hbm4b:s1+s29], $0x80, s30, s29, $0xb8;
	[tilespmem:$0x1C200] =	vst v63  }
0x94: {  	_ =	swait.ge [sflag:s2], $0x4000  }
0x95: {  	[sflag:s2] =	ssyncset.done $0x0  }
0x96: {  	[sflag:s2] =	ssyncadd.s32 $0xFFFFC000  }
0x97: {  	[spmem:s3] =	stream.indirect.scatter.add.f32 [tilespmem:s26], [sflag:$0x3], $0x80, s29, s29, $0xb8;
	[tilespmem:$0x1C200] =	vst v63  }
0x98: {  	_ =	swait.ge [sflag:s28], $0x4000  }
0x99: {  	[sflag:s28] =	ssyncset.done $0x0  }
0x9a: {  	[sflag:s28] =	ssyncadd.s32 $0xFFFFC000  }
0x9b: {  	[tilespmem:s4], [sflag:$0x3] =	stream.linear.gather [hbm4b:s16+s4], $0x100, $0x38;
	[tilespmem:$0x1C200] =	vst v63  }
0x9c: {  	_ =	swait.ge [sflag:s28], $0x100  }
0x9d: {  	[sflag:s28] =	ssyncset.done $0x0  }
0x9e: {  	[sflag:s28] =	ssyncadd.s32 $0xFFFFFF00  }
0x9f: {  	[tilespmem:s26], [sflag:$0x1] =	stream.indirect.gather [hbm4b:s1+s29], $0x80, s4, s29, $0xb8;
	[tilespmem:$0x1C200] =	vst v63  }
0xa0: {  	_ =	swait.ge [sflag:s0], $0x4000  }
0xa1: {  	[sflag:s0] =	ssyncset.done $0x0  }
0xa2: {  	[sflag:s0] =	ssyncadd.s32 $0xFFFFC000  }
0xa3: {  	[spmem:s3] =	stream.indirect.scatter.add.f32 [tilespmem:s31], [sflag:$0x3], $0x80, s8, s29, $0xb8;
	[tilespmem:$0x1C200] =	vst v63  }
0xa4: {  	_ =	swait.ge [sflag:s28], $0x4000  }
0xa5: {  	[sflag:s28] =	ssyncset.done $0x0  }
0xa6: {  	[sflag:s28] =	ssyncadd.s32 $0xFFFFC000  }
0xa7: {  	_ =	swait.ge [sflag:s2], $0x4000  }
0xa8: {  	[sflag:s2] =	ssyncset.done $0x0  }
0xa9: {  	[sflag:s2] =	ssyncadd.s32 $0xFFFFC000  }
0xaa: {  	[bflag:$0x0] =	sbarrier.arrive $0xFFFF  }
0xab: {  	[tilespmem:s26], [sflag:$0x3] =	stream.linear.gather [spmem:s5], $0x4000, $0x38;
	[tilespmem:$0x1C200] =	vst v63  }
0xac: {  	_ =	swait.ge [sflag:s28], $0x4000  }
0xad: {  	[sflag:s28] =	ssyncset.done $0x0  }
0xae: {  	[sflag:s28] =	ssyncadd.s32 $0xFFFFC000  }
0xaf: {  	[hbm4b:s17+s4] =	stream.linear.scatter [tilespmem:s26], [sflag:$0x3], $0x4000, $0x38;
	[tilespmem:$0x1C200] =	vst v63  }
0xb0: {  	_ =	swait.ge [sflag:s28], $0x4000  }
0xb1: {  	[sflag:s28] =	ssyncset.done $0x0  }
0xb2: {  	[sflag:s28] =	ssyncadd.s32 $0xFFFFC000  }
0xb3: {  	[tilespmem:s26], [sflag:$0x3] =	stream.linear.gather [spmem:s18], $0x4000, $0x38;
	[tilespmem:$0x1C200] =	vst v63  }
0xb4: {  	_ =	swait.ge [sflag:s28], $0x4000  }
0xb5: {  	[sflag:s28] =	ssyncset.done $0x0  }
0xb6: {  	[sflag:s28] =	ssyncadd.s32 $0xFFFFC000  }
0xb7: {  	[hbm4b:s19+s4] =	stream.linear.scatter [tilespmem:s26], [sflag:$0x3], $0x4000, $0x38;
	[tilespmem:$0x1C200] =	vst v63  }
0xb8: {  	_ =	swait.ge [sflag:s28], $0x4000  }
0xb9: {  	[sflag:s28] =	ssyncset.done $0x0  }
0xba: {  	[sflag:s28] =	ssyncadd.s32 $0xFFFFC000  }
0xbb: {  	[tilespmem:s26], [sflag:$0x3] =	stream.linear.gather [spmem:s20], $0x4000, $0x38;
	[tilespmem:$0x1C200] =	vst v63  }
0xbc: {  	_ =	swait.ge [sflag:s28], $0x4000  }
0xbd: {  	[sflag:s28] =	ssyncset.done $0x0  }
0xbe: {  	[sflag:s28] =	ssyncadd.s32 $0xFFFFC000  }
0xbf: {  	[hbm4b:s21+s4] =	stream.linear.scatter [tilespmem:s26], [sflag:$0x3], $0x4000, $0x38;
	[tilespmem:$0x1C200] =	vst v63  }
0xc0: {  	_ =	swait.ge [sflag:s28], $0x4000  }
0xc1: {  	[sflag:s28] =	ssyncset.done $0x0  }
0xc2: {  	[sflag:s28] =	ssyncadd.s32 $0xFFFFC000  }
0xc3: {  	[tilespmem:s26], [sflag:$0x3] =	stream.linear.gather [spmem:s22], $0x4000, $0x38;
	[tilespmem:$0x1C200] =	vst v63  }
0xc4: {  	_ =	swait.ge [sflag:s28], $0x4000  }
0xc5: {  	[sflag:s28] =	ssyncset.done $0x0  }
0xc6: {  	[sflag:s28] =	ssyncadd.s32 $0xFFFFC000  }
0xc7: {  	[hbm4b:s23+s4] =	stream.linear.scatter [tilespmem:s26], [sflag:$0x3], $0x4000, $0x38;
	[tilespmem:$0x1C200] =	vst v63  }
0xc8: {  	_ =	swait.ge [sflag:s28], $0x4000  }
0xc9: {  	[sflag:s28] =	ssyncset.done $0x0  }
0xca: {  	s11 =	simm.s32 @p0 $0x200;
	s12 =	rddreg [dreg:$0x5];
	[sflag:s28] =	ssyncadd.s32 $0xFFFFC000  }
0xcb: {  	[tilespmem:s11], [sflag:$0x3] =	stream.linear.gather @p0 [spmem:s12], $0x4000, $0x38;
	[tilespmem:$0x1C200] =	vst v63  }
0xcc: {  	s12 =	simm.s32 @p0 $0x3  }
0xcd: {  	_ =	swait.ge @p0 [sflag:s12], $0x4000  }
0xce: {  	[sflag:s12] =	ssyncset.done @p0 $0x0  }
0xcf: {  	s13 =	simm.s32 @p0 $0x0;
	[sflag:s12] =	ssyncadd.s32 @p0 $0xFFFFC000  }
0xd0: {  	[hbm4b:s9+s13] =	stream.linear.scatter @p0 [tilespmem:s11], [sflag:$0x3], $0x4000, $0x38;
	[tilespmem:$0x1C200] =	vst v63  }
0xd1: {  	_ =	swait.ge @p0 [sflag:s12], $0x4000  }
0xd2: {  	[sflag:s12] =	ssyncset.done @p0 $0x0  }
0xd3: {  	s11 =	simm.s32 @!p0 $0x200;
	[sflag:s12] =	ssyncadd.s32 @p0 $0xFFFFC000;
	s12 =	rddreg [dreg:$0x4]  }
0xd4: {  	[tilespmem:s11], [sflag:$0x3] =	stream.linear.gather @!p0 [spmem:s12], $0x3800, $0x38;
	[tilespmem:$0x1C200] =	vst v63  }
0xd5: {  	s12 =	simm.s32 @!p0 $0x3  }
0xd6: {  	_ =	swait.ge @!p0 [sflag:s12], $0x3800  }
0xd7: {  	[sflag:s12] =	ssyncset.done @!p0 $0x0  }
0xd8: {  	s13 =	simm.s32 @!p0 $0x0;
	[sflag:s12] =	ssyncadd.s32 @!p0 $0xFFFFC800  }
0xd9: {  	[hbm4b:s9+s13] =	stream.linear.scatter @!p0 [tilespmem:s11], [sflag:$0x3], $0x3800, $0x38;
	[tilespmem:$0x1C200] =	vst v63  }
0xda: {  	_ =	swait.ge @!p0 [sflag:s12], $0x3800  }
0xdb: {  	s10 =	sadd.s32 $0x1, s10;
	s15 =	rddreg [dreg:$0x6]  }
0xdc: {  	p1 =	sne.s32 s10, s15  }
.Ltmp2:
0xdd: {  	_ = 	snop;
	(pc) =	sbr.rel @p1 .LBB2_1-.Ltmp2, $3  }
0xde: {  	_ =	sdelay $0x1  }
0xdf: {  	[sflag:s12] =	ssyncset.done @!p0 $0x0  }
0xe0: {  	[sflag:s12] =	ssyncadd.s32 @!p0 $0xFFFFC800  }
0xe1: {  	_ =	sfence.sel $0x180000  }
0xe2: {  	[bflag:$0x0] =	sbarrier.arrive $0xFFFF  }
0xe3: {  	_ =	strace $0x90000047  }
0xe4: {  	s0 =	stileid.u32;
	[bflag:$0x2] =	sbarrier.arrive $0xFFFF  }
0xe5: {  	p0 =	sne.s32 s0, $0x0;
	s0 =	rddreg [dreg:$0x3]  }
0xe6: {  	s0 =	sadd.s32 @!p0 $0x100000, s0  }
0xe7: {  	[sflag:s0] =	ssyncadd.tile.s32 @!p0 $0x1;
	_ =	shalt  }
.Lfunc_end2:
_tile_overlayer_lowered:
.L_overlay_start_2:
0xe8: {  	(tag) =	ssettag $0x2  }
0xe9: {  	s0 =	rddreg [dreg:$0x0];
	s2 =	stileid.u32  }
0xea: {  	s1 =	rddreg [dreg:$0x1];
	p0 =	sne.s32 s2, $0x0  }
0xeb: {  	s3 =	rddreg [dreg:$0x2];
	[bflag:$0x3] =	sbarrier.arrive $0xFFFF;
	s2 =	simm.s32 @!p0 $0x1C03  }
0xec: {  	[timem:s3], [sflag:s2] =	dma.local @!p0 [hbm:s0], s1  }
0xed: {  	s0 =	simm.s32 @!p0 $0x3  }
0xee: {  	_ =	swait.ge @!p0 [sflag:s0], s1  }
0xef: {  	s1 =	ssub.s32 @!p0 $0x0, s1;
	[sflag:s0] =	ssyncset.done @!p0 $0x0  }
0xf0: {  	[sflag:s0] =	ssyncadd.s32 @!p0 s1  }
0xf1: {  	[bflag:$0x3] =	sbarrier.arrive $0xFFFF  }
0xf2: {  	_ =	shalt  }

</sc_bundles>
